<compile_context>
chip_gen: v7x
topology: tpu7x:2x2x1
jax: 0.10.2.dev20260603
libtpu: 0.0.44.dev20260713+nightly
codegen_flags: <defaults>
</compile_context>

<pallas_src>
import functools

import jax
import jax.numpy as jnp
from jax import lax
from jax.experimental import pallas as pl
from jax.experimental.pallas import tpu as pltpu
from jax.experimental.pallas import tpu_sc as plsc

NN = 10000
EE = 320000
GG = 128
DH = 128

NC, NS = 2, 16
NW = NC * NS
CHUNK = 128
NCH0 = 79
NCH1 = 79
NCHMAX = NCH0
TOTCH = NS * (NCH0 + NCH1)
EPAD = TOTCH * CHUNK - EE
NPAD = 10240
RPS = NPAD // NS
DEGPAD = 10240

_mesh = plsc.VectorSubcoreMesh(
    core_axis_name="c", subcore_axis_name="s", num_cores=NC, num_subcores=NS)
_sc_params = pltpu.CompilerParams(needs_layout_passes=False)


@functools.partial(
    pl.kernel,
    out_type=jax.ShapeDtypeStruct((NW, DEGPAD), jnp.float32),
    mesh=_mesh,
    compiler_params=_sc_params,
    scratch_types=[
        pltpu.VMEM((NCHMAX, CHUNK), jnp.int32),
        pltpu.VMEM((DEGPAD,), jnp.float32),
    ],
)
def _deg_kernel(dst_hbm, deg_out, dst_v, deg_v):
    c = lax.axis_index("c")
    wid = c * NS + lax.axis_index("s")
    pltpu.sync_copy(dst_hbm.at[wid], dst_v)

    @pl.loop(0, DEGPAD // 16)
    def _zero(i):
        deg_v[pl.ds(i * 16, 16)] = jnp.zeros((16,), jnp.float32)

    ones = jnp.ones((16,), jnp.float32)

    def _hist(nch):
        @pl.loop(0, nch)
        def _row(j):
            @pl.loop(0, CHUNK // 16)
            def _sub(t):
                idx = dst_v[j, pl.ds(t * 16, 16)]
                plsc.addupdate_scatter(deg_v, [idx], ones)

    if NCH0 == NCH1:
        _hist(NCH0)
    else:
        @pl.when(c == 0)
        def _():
            _hist(NCH0)

        @pl.when(c != 0)
        def _():
            _hist(NCH1)

    pltpu.sync_copy(deg_v, deg_out.at[wid])


@functools.partial(
    pl.kernel,
    out_type=jax.ShapeDtypeStruct((NC, NPAD, DH), jnp.float32),
    mesh=_mesh,
    compiler_params=_sc_params,
    scratch_types=[
        pltpu.VMEM((NCHMAX, CHUNK), jnp.int32),
        pltpu.VMEM((NCHMAX, CHUNK), jnp.int32),
        pltpu.VMEM((CHUNK, DH), jnp.float32),
        pltpu.VMEM_SHARED((NPAD, DH), jnp.float32),
        pltpu.SemaphoreType.DMA,
        pltpu.SemaphoreType.DMA,
    ],
)
def _edge_kernel(y_hbm, src_hbm, dst_hbm, out_hbm,
                 src_v, dst_v, rows_v, agg_sh, gsem, ssem):
    c = lax.axis_index("c")
    s = lax.axis_index("s")
    wid = c * NS + s
    pltpu.sync_copy(src_hbm.at[wid], src_v)
    pltpu.sync_copy(dst_hbm.at[wid], dst_v)

    @pl.loop(0, CHUNK * DH // 16)
    def _zb(i):
        r = i // (DH // 16)
        t = i % (DH // 16)
        rows_v[r, pl.ds(t * 16, 16)] = jnp.zeros((16,), jnp.float32)

    base = s * RPS

    @pl.loop(0, RPS // CHUNK)
    def _zc(i):
        pltpu.sync_copy(rows_v, agg_sh.at[pl.ds(base + i * CHUNK, CHUNK)])

    plsc.subcore_barrier()

    def _run(nch):
        @pl.loop(0, nch)
        def _chunk(j):
            pltpu.async_copy(y_hbm.at[src_v.at[j]], rows_v, gsem).wait()
            pltpu.async_copy(rows_v, agg_sh.at[dst_v.at[j]], ssem,
                             add=True).wait()

    if NCH0 == NCH1:
        _run(NCH0)
    else:
        @pl.when(c == 0)
        def _():
            _run(NCH0)

        @pl.when(c != 0)
        def _():
            _run(NCH1)

    plsc.subcore_barrier()
    pltpu.sync_copy(agg_sh.at[pl.ds(base, RPS)],
                    out_hbm.at[c, pl.ds(base, RPS)])


def _k2_body(x_ref, w_ref, degp_ref, y_ref, dinv_ref):
    deg = jnp.sum(degp_ref[...], axis=0)[:NN]
    dinv = jnp.where(deg > 0.0, lax.rsqrt(jnp.maximum(deg, 1e-12)), 0.0)
    xw = jnp.dot(x_ref[...], w_ref[...], preferred_element_type=jnp.float32)
    y_ref[...] = xw * dinv[:, None]
    dinv_ref[...] = dinv[:, None]


def _k4_body(p_ref, dinv_ref, b1_ref, w2_ref, y2_ref):
    dinv = dinv_ref[...]
    agg = (p_ref[0, :NN, :] + p_ref[1, :NN, :]) * dinv
    h = jnp.maximum(agg + b1_ref[...], 0.0)
    y2_ref[...] = jnp.dot(h, w2_ref[...],
                          preferred_element_type=jnp.float32) * dinv


def _k6_body(p_ref, dinv_ref, b2_ref, batch_ref, wl_ref, bl_ref, out_ref):
    h = (p_ref[0, :NN, :] + p_ref[1, :NN, :]) * dinv_ref[...] + b2_ref[...]
    g = lax.broadcasted_iota(jnp.int32, (NN, GG), 1)
    m = (batch_ref[...] == g).astype(jnp.float32)
    sums = lax.dot_general(m, h, (((0,), (0,)), ((), ())),
                           preferred_element_type=jnp.float32)
    counts = jnp.sum(m, axis=0)
    pooled = sums / jnp.clip(counts, 1.0)[:, None]
    out_ref[...] = jnp.dot(pooled, wl_ref[...],
                           preferred_element_type=jnp.float32) + bl_ref[...]


_k2 = pl.pallas_call(
    _k2_body,
    out_shape=(jax.ShapeDtypeStruct((NN, DH), jnp.float32),
               jax.ShapeDtypeStruct((NN, 1), jnp.float32)))

_k4 = pl.pallas_call(
    _k4_body,
    out_shape=jax.ShapeDtypeStruct((NN, DH), jnp.float32))

_k6 = pl.pallas_call(
    _k6_body,
    out_shape=jax.ShapeDtypeStruct((GG, 64), jnp.float32))


def kernel(x, edge_index, edge_attr, batch, W1, b1, W2, b2, Wl, bl):
    def _split(flat, padvals):
        padded = jnp.concatenate([flat, padvals])
        cut = NS * NCH0 * CHUNK
        a = padded[:cut].reshape(NS, NCH0, CHUNK)
        b = padded[cut:].reshape(NS, NCH1, CHUNK)
        b = jnp.pad(b, ((0, 0), (0, NCHMAX - NCH1), (0, 0)))
        return jnp.concatenate([a, b], axis=0)

    pad_iota = jnp.arange(EPAD, dtype=jnp.int32)
    src_r = _split(edge_index[0], pad_iota % NN)
    dst_r = _split(edge_index[1], NN + pad_iota % (NPAD - NN))
    degp = _deg_kernel(dst_r)
    y1, dinv = _k2(x, W1, degp)
    p1 = _edge_kernel(y1, src_r, dst_r)
    y2 = _k4(p1, dinv, b1.reshape(1, DH), W2)
    p2 = _edge_kernel(y2, src_r, dst_r)
    logits = _k6(p2, dinv, b2.reshape(1, DH), batch.reshape(NN, 1),
                 Wl, bl.reshape(1, 64))
    return logits

# --- scband reference (transcript-rebuilt; emitter-appended) ---
"""Pipeline reference for scband-my-graph-gcn-25074019074259 (READ-ONLY COPY).

The authoritative reference and input builder live on the scoring server;
editing this copy changes nothing except your own understanding.
"""

import jax, jax.numpy as jnp
import numpy as np

N, E, G = 10000, 320000, 128
D_IN, D_H, D_OUT = 128, 128, 64


def setup_inputs(seed: int = 0) -> dict:
    key = jax.random.key(seed)
    ks = jax.random.split(key, 10)
    x = jax.random.normal(ks[0], (N, D_IN), dtype=jnp.float32)
    edge_index = jax.random.randint(ks[1], (2, E), 0, N, dtype=jnp.int32)
    edge_attr = jax.random.uniform(ks[2], (E,), dtype=jnp.float32)
    batch = jnp.sort(jax.random.randint(ks[3], (N,), 0, G, dtype=jnp.int32))
    W1 = jax.random.normal(ks[4], (D_IN, D_H), dtype=jnp.float32) * 0.05
    b1 = jnp.zeros((D_H,), dtype=jnp.float32)
    W2 = jax.random.normal(ks[5], (D_H, D_H), dtype=jnp.float32) * 0.05
    b2 = jnp.zeros((D_H,), dtype=jnp.float32)
    Wl = jax.random.normal(ks[6], (D_H, D_OUT), dtype=jnp.float32) * 0.05
    bl = jnp.zeros((D_OUT,), dtype=jnp.float32)
    return {"x": x, "edge_index": edge_index, "edge_attr": edge_attr, "batch": batch,
            "W1": W1, "b1": b1, "W2": W2, "b2": b2, "Wl": Wl, "bl": bl}


def gcn_conv(x, W, b, src, dst, n):
    # GCNConv (add_self_loops=False, edge_weight=None):
    # deg from unit edge weights scattered at dst, symmetric normalization,
    # message x_j * norm gathered from src, scatter-added at dst, plus bias.
    xw = x @ W
    deg = jnp.zeros((n,), dtype=x.dtype).at[dst].add(1.0)
    dinv = jnp.where(deg > 0, deg ** -0.5, 0.0)
    norm = dinv[src] * dinv[dst]
    agg = jnp.zeros_like(xw).at[dst].add(xw[src] * norm[:, None])
    return agg + b


def reference(x, edge_index, edge_attr, batch, W1, b1, W2, b2, Wl, bl):
    # is_edge_attr=False -> edge_attr unused; dropout in eval mode (identity)
    src, dst = edge_index[0], edge_index[1]
    h = gcn_conv(x, W1, b1, src, dst, N)
    h = jax.nn.relu(h)
    h = gcn_conv(h, W2, b2, src, dst, N)
    # global_mean_pool over batch segments
    sums = jax.ops.segment_sum(h, batch, num_segments=G)
    counts = jax.ops.segment_sum(jnp.ones((N,), dtype=h.dtype), batch, num_segments=G)
    pooled = sums / jnp.clip(counts, 1.0)[:, None]
    logits = pooled @ Wl + bl
    return logits

if __name__ == "__main__":
    import jax
    _d = setup_inputs()
    print(jax.jit(kernel)(*tuple(_d.values())))

</pallas_src>

<mosaic_0001>
#map = affine_map<(d0, d1) -> (0, 0, 0)>
#map1 = affine_map<(d0, d1) -> (0, 0)>
module attributes {stable_mosaic.version = 14 : i64} {
  func.func @_deg_kernel(%arg0: i32, %arg1: i32, %arg2: memref<32x79x128xi32, #tpu.memory_space<hbm>>, %arg3: memref<32x10240xf32, #tpu.memory_space<hbm>>, %arg4: memref<79x128xi32, #tpu.memory_space<vmem>>, %arg5: memref<10240xf32, #tpu.memory_space<vmem>>) attributes {dimension_semantics = [#tpu.dimension_semantics<core_parallel>, #tpu.dimension_semantics<subcore_parallel>], iteration_bounds = array<i64: 2, 16>, scalar_prefetch = 0 : i64, scratch_operands = 2 : i64, tpu.core_type = #tpu.core_type<sc_vector_subcore>, window_params = [{transform_indices = #map}, {transform_indices = #map1}]} {
    %mul3A = arith.constant 16 : i32
    %mul3A_0 = arith.muli %arg0, %mul3A : i32
    %add3A = arith.addi %mul3A_0, %arg1 : i32
    "tpu.region"() ({
      %run_scoped3A = tpu.sem_alloc : memref<!tpu.dma_semaphore, #tpu.memory_space<semaphore_mem>>
      %dma_start3A = arith.constant 0 : i32
      %dma_start3A_11 = arith.constant 0 : i32
      %dma_start3A_12 = tpu.memref_slice %arg2[%add3A, %dma_start3A, %dma_start3A_11] : memref<32x79x128xi32, #tpu.memory_space<hbm>> -> memref<1x79x128xi32, #tpu.memory_space<hbm>>
      %dma_start3A_13 = tpu.memref_squeeze %dma_start3A_12 : memref<1x79x128xi32, #tpu.memory_space<hbm>> -> memref<79x128xi32, #tpu.memory_space<hbm>>
      %dma_start3A_14 = arith.constant 0 : i32
      %dma_start3A_15 = arith.constant 0 : i32
      %dma_start3A_16 = tpu.memref_slice %arg2[%add3A, %dma_start3A_14, %dma_start3A_15] : memref<32x79x128xi32, #tpu.memory_space<hbm>> -> memref<1x79x128xi32, #tpu.memory_space<hbm>>
      %dma_start3A_17 = tpu.memref_squeeze %dma_start3A_16 : memref<1x79x128xi32, #tpu.memory_space<hbm>> -> memref<79x128xi32, #tpu.memory_space<hbm>>
      tpu.enqueue_dma source(%dma_start3A_17 : memref<79x128xi32, #tpu.memory_space<hbm>>) target(%arg4 : memref<79x128xi32, #tpu.memory_space<vmem>>) target_semaphore(%run_scoped3A : memref<!tpu.dma_semaphore, #tpu.memory_space<semaphore_mem>>)
      %dma_wait3A = arith.constant 0 : i32
      %dma_wait3A_18 = arith.constant 0 : i32
      %dma_wait3A_19 = tpu.memref_slice %arg2[%add3A, %dma_wait3A, %dma_wait3A_18] : memref<32x79x128xi32, #tpu.memory_space<hbm>> -> memref<1x79x128xi32, #tpu.memory_space<hbm>>
      %dma_wait3A_20 = tpu.memref_squeeze %dma_wait3A_19 : memref<1x79x128xi32, #tpu.memory_space<hbm>> -> memref<79x128xi32, #tpu.memory_space<hbm>>
      %dma_wait3A_21 = arith.constant 0 : i32
      %dma_wait3A_22 = arith.constant 0 : i32
      %dma_wait3A_23 = tpu.memref_slice %arg2[%add3A, %dma_wait3A_21, %dma_wait3A_22] : memref<32x79x128xi32, #tpu.memory_space<hbm>> -> memref<1x79x128xi32, #tpu.memory_space<hbm>>
      %dma_wait3A_24 = tpu.memref_squeeze %dma_wait3A_23 : memref<1x79x128xi32, #tpu.memory_space<hbm>> -> memref<79x128xi32, #tpu.memory_space<hbm>>
      tpu.wait_dma2 semaphore(%run_scoped3A : memref<!tpu.dma_semaphore, #tpu.memory_space<semaphore_mem>>) src(%dma_wait3A_24 : memref<79x128xi32, #tpu.memory_space<hbm>>) dst(%arg4 : memref<79x128xi32, #tpu.memory_space<vmem>>)
      tpu.yield
    }) : () -> ()
    %scan3A = arith.constant 0 : i32
    %scan3A_1 = arith.constant 640 : i32
    %scan3A_2 = arith.addi %scan3A, %scan3A_1 : i32
    %scan3A_3 = arith.constant 1 : i32
    scf.for %scan3A_11 = %scan3A to %scan3A_2 step %scan3A_3  : i32 {
      %mul3A_12 = arith.constant 1 : i32
      %mul3A_13 = arith.muli %scan3A_11, %mul3A_12 : i32
      %add3A_14 = arith.constant 0 : i32
      %add3A_15 = arith.addi %add3A_14, %mul3A_13 : i32
      %broadcast_in_dim3A_16 = arith.constant 0.000000e+00 : f32
      %broadcast_in_dim3A_17 = vector.broadcast %broadcast_in_dim3A_16 : f32 to vector<16xf32>
      %mul3A_18 = arith.constant 16 : i32
      %mul3A_19 = arith.muli %add3A_15, %mul3A_18 : i32
      %swap3A = arith.index_cast %mul3A_19 : i32 to index
      %swap3A_20 = tpu.vector_load %arg5[%swap3A] {strides = array<i32>} : memref<10240xf32, #tpu.memory_space<vmem>>, vector<16xf32>,
      tpu.vector_store %arg5[%swap3A], %broadcast_in_dim3A_17 {strides = array<i32>} : memref<10240xf32, #tpu.memory_space<vmem>>, vector<16xf32>,
    }
    %scan3A_4 = arith.constant 640 : i32
    %broadcast_in_dim3A = arith.constant 1.000000e+00 : f32
    %broadcast_in_dim3A_5 = vector.broadcast %broadcast_in_dim3A : f32 to vector<16xf32>
    %scan3A_6 = arith.constant 0 : i32
    %scan3A_7 = arith.constant 79 : i32
    %scan3A_8 = arith.addi %scan3A_6, %scan3A_7 : i32
    %scan3A_9 = arith.constant 1 : i32
    scf.for %scan3A_11 = %scan3A_6 to %scan3A_8 step %scan3A_9  : i32 {
      %mul3A_12 = arith.constant 1 : i32
      %mul3A_13 = arith.muli %scan3A_11, %mul3A_12 : i32
      %add3A_14 = arith.constant 0 : i32
      %add3A_15 = arith.addi %add3A_14, %mul3A_13 : i32
      %scan3A_16 = arith.constant 0 : i32
      %scan3A_17 = arith.constant 8 : i32
      %scan3A_18 = arith.addi %scan3A_16, %scan3A_17 : i32
      %scan3A_19 = arith.constant 1 : i32
      scf.for %scan3A_21 = %scan3A_16 to %scan3A_18 step %scan3A_19  : i32 {
        %mul3A_22 = arith.constant 1 : i32
        %mul3A_23 = arith.muli %scan3A_21, %mul3A_22 : i32
        %add3A_24 = arith.constant 0 : i32
        %add3A_25 = arith.addi %add3A_24, %mul3A_23 : i32
        %mul3A_26 = arith.constant 16 : i32
        %mul3A_27 = arith.muli %add3A_25, %mul3A_26 : i32
        %get3A = arith.index_cast %add3A_15 : i32 to index
        %get3A_28 = arith.index_cast %mul3A_27 : i32 to index
        %get3A_29 = tpu.vector_load %arg4[%get3A, %get3A_28] {strides = array<i32>} : memref<79x128xi32, #tpu.memory_space<vmem>>, vector<16xi32>,
        tpu.vector_store_idx %arg5[%get3A_29], %broadcast_in_dim3A_5 {add = true} : memref<10240xf32, #tpu.memory_space<vmem>>[vector<16xi32>], vector<16xf32>,
      }
      %scan3A_20 = arith.constant 8 : i32
    }
    %scan3A_10 = arith.constant 79 : i32
    "tpu.region"() ({
      %run_scoped3A = tpu.sem_alloc : memref<!tpu.dma_semaphore, #tpu.memory_space<semaphore_mem>>
      %dma_start3A = arith.constant 0 : i32
      %dma_start3A_11 = tpu.memref_slice %arg3[%add3A, %dma_start3A] : memref<32x10240xf32, #tpu.memory_space<hbm>> -> memref<1x10240xf32, #tpu.memory_space<hbm>>
      %dma_start3A_12 = tpu.memref_squeeze %dma_start3A_11 : memref<1x10240xf32, #tpu.memory_space<hbm>> -> memref<10240xf32, #tpu.memory_space<hbm>>
      %dma_start3A_13 = arith.constant 0 : i32
      %dma_start3A_14 = tpu.memref_slice %arg3[%add3A, %dma_start3A_13] : memref<32x10240xf32, #tpu.memory_space<hbm>> -> memref<1x10240xf32, #tpu.memory_space<hbm>>
      %dma_start3A_15 = tpu.memref_squeeze %dma_start3A_14 : memref<1x10240xf32, #tpu.memory_space<hbm>> -> memref<10240xf32, #tpu.memory_space<hbm>>
      tpu.enqueue_dma source(%arg5 : memref<10240xf32, #tpu.memory_space<vmem>>) target(%dma_start3A_15 : memref<10240xf32, #tpu.memory_space<hbm>>) target_semaphore(%run_scoped3A : memref<!tpu.dma_semaphore, #tpu.memory_space<semaphore_mem>>)
      %dma_wait3A = arith.constant 0 : i32
      %dma_wait3A_16 = tpu.memref_slice %arg3[%add3A, %dma_wait3A] : memref<32x10240xf32, #tpu.memory_space<hbm>> -> memref<1x10240xf32, #tpu.memory_space<hbm>>
      %dma_wait3A_17 = tpu.memref_squeeze %dma_wait3A_16 : memref<1x10240xf32, #tpu.memory_space<hbm>> -> memref<10240xf32, #tpu.memory_space<hbm>>
      %dma_wait3A_18 = arith.constant 0 : i32
      %dma_wait3A_19 = tpu.memref_slice %arg3[%add3A, %dma_wait3A_18] : memref<32x10240xf32, #tpu.memory_space<hbm>> -> memref<1x10240xf32, #tpu.memory_space<hbm>>
      %dma_wait3A_20 = tpu.memref_squeeze %dma_wait3A_19 : memref<1x10240xf32, #tpu.memory_space<hbm>> -> memref<10240xf32, #tpu.memory_space<hbm>>
      tpu.wait_dma2 semaphore(%run_scoped3A : memref<!tpu.dma_semaphore, #tpu.memory_space<semaphore_mem>>) src(%arg5 : memref<10240xf32, #tpu.memory_space<vmem>>) dst(%dma_wait3A_20 : memref<10240xf32, #tpu.memory_space<hbm>>)
      tpu.yield
    }) : () -> ()
    return
  }
}

#map = affine_map<(d0, d1) -> (0, 0)>
#map1 = affine_map<(d0, d1) -> (0, 0, 0)>
module attributes {stable_mosaic.version = 14 : i64} {
  func.func @_edge_kernel(%arg0: i32, %arg1: i32, %arg2: memref<10000x128xf32, #tpu.memory_space<hbm>>, %arg3: memref<32x79x128xi32, #tpu.memory_space<hbm>>, %arg4: memref<32x79x128xi32, #tpu.memory_space<hbm>>, %arg5: memref<2x10240x128xf32, #tpu.memory_space<hbm>>, %arg6: memref<79x128xi32, #tpu.memory_space<vmem>>, %arg7: memref<79x128xi32, #tpu.memory_space<vmem>>, %arg8: memref<128x128xf32, #tpu.memory_space<vmem>>, %arg9: memref<10240x128xf32, #tpu.memory_space<vmem_shared>>, %arg10: memref<!tpu.dma_semaphore, #tpu.memory_space<semaphore_mem>>, %arg11: memref<!tpu.dma_semaphore, #tpu.memory_space<semaphore_mem>>) attributes {dimension_semantics = [#tpu.dimension_semantics<core_parallel>, #tpu.dimension_semantics<subcore_parallel>], iteration_bounds = array<i64: 2, 16>, scalar_prefetch = 0 : i64, scratch_operands = 6 : i64, tpu.core_type = #tpu.core_type<sc_vector_subcore>, window_params = [{transform_indices = #map}, {transform_indices = #map1}, {transform_indices = #map1}, {transform_indices = #map1}]} {
    %mul3A = arith.constant 16 : i32
    %mul3A_0 = arith.muli %arg0, %mul3A : i32
    %add3A = arith.addi %mul3A_0, %arg1 : i32
    "tpu.region"() ({
      %run_scoped3A = tpu.sem_alloc : memref<!tpu.dma_semaphore, #tpu.memory_space<semaphore_mem>>
      %dma_start3A = arith.constant 0 : i32
      %dma_start3A_18 = arith.constant 0 : i32
      %dma_start3A_19 = tpu.memref_slice %arg3[%add3A, %dma_start3A, %dma_start3A_18] : memref<32x79x128xi32, #tpu.memory_space<hbm>> -> memref<1x79x128xi32, #tpu.memory_space<hbm>>
      %dma_start3A_20 = tpu.memref_squeeze %dma_start3A_19 : memref<1x79x128xi32, #tpu.memory_space<hbm>> -> memref<79x128xi32, #tpu.memory_space<hbm>>
      %dma_start3A_21 = arith.constant 0 : i32
      %dma_start3A_22 = arith.constant 0 : i32
      %dma_start3A_23 = tpu.memref_slice %arg3[%add3A, %dma_start3A_21, %dma_start3A_22] : memref<32x79x128xi32, #tpu.memory_space<hbm>> -> memref<1x79x128xi32, #tpu.memory_space<hbm>>
      %dma_start3A_24 = tpu.memref_squeeze %dma_start3A_23 : memref<1x79x128xi32, #tpu.memory_space<hbm>> -> memref<79x128xi32, #tpu.memory_space<hbm>>
      tpu.enqueue_dma source(%dma_start3A_24 : memref<79x128xi32, #tpu.memory_space<hbm>>) target(%arg6 : memref<79x128xi32, #tpu.memory_space<vmem>>) target_semaphore(%run_scoped3A : memref<!tpu.dma_semaphore, #tpu.memory_space<semaphore_mem>>)
      %dma_wait3A = arith.constant 0 : i32
      %dma_wait3A_25 = arith.constant 0 : i32
      %dma_wait3A_26 = tpu.memref_slice %arg3[%add3A, %dma_wait3A, %dma_wait3A_25] : memref<32x79x128xi32, #tpu.memory_space<hbm>> -> memref<1x79x128xi32, #tpu.memory_space<hbm>>
      %dma_wait3A_27 = tpu.memref_squeeze %dma_wait3A_26 : memref<1x79x128xi32, #tpu.memory_space<hbm>> -> memref<79x128xi32, #tpu.memory_space<hbm>>
      %dma_wait3A_28 = arith.constant 0 : i32
      %dma_wait3A_29 = arith.constant 0 : i32
      %dma_wait3A_30 = tpu.memref_slice %arg3[%add3A, %dma_wait3A_28, %dma_wait3A_29] : memref<32x79x128xi32, #tpu.memory_space<hbm>> -> memref<1x79x128xi32, #tpu.memory_space<hbm>>
      %dma_wait3A_31 = tpu.memref_squeeze %dma_wait3A_30 : memref<1x79x128xi32, #tpu.memory_space<hbm>> -> memref<79x128xi32, #tpu.memory_space<hbm>>
      tpu.wait_dma2 semaphore(%run_scoped3A : memref<!tpu.dma_semaphore, #tpu.memory_space<semaphore_mem>>) src(%dma_wait3A_31 : memref<79x128xi32, #tpu.memory_space<hbm>>) dst(%arg6 : memref<79x128xi32, #tpu.memory_space<vmem>>)
      tpu.yield
    }) : () -> ()
    "tpu.region"() ({
      %run_scoped3A = tpu.sem_alloc : memref<!tpu.dma_semaphore, #tpu.memory_space<semaphore_mem>>
      %dma_start3A = arith.constant 0 : i32
      %dma_start3A_18 = arith.constant 0 : i32
      %dma_start3A_19 = tpu.memref_slice %arg4[%add3A, %dma_start3A, %dma_start3A_18] : memref<32x79x128xi32, #tpu.memory_space<hbm>> -> memref<1x79x128xi32, #tpu.memory_space<hbm>>
      %dma_start3A_20 = tpu.memref_squeeze %dma_start3A_19 : memref<1x79x128xi32, #tpu.memory_space<hbm>> -> memref<79x128xi32, #tpu.memory_space<hbm>>
      %dma_start3A_21 = arith.constant 0 : i32
      %dma_start3A_22 = arith.constant 0 : i32
      %dma_start3A_23 = tpu.memref_slice %arg4[%add3A, %dma_start3A_21, %dma_start3A_22] : memref<32x79x128xi32, #tpu.memory_space<hbm>> -> memref<1x79x128xi32, #tpu.memory_space<hbm>>
      %dma_start3A_24 = tpu.memref_squeeze %dma_start3A_23 : memref<1x79x128xi32, #tpu.memory_space<hbm>> -> memref<79x128xi32, #tpu.memory_space<hbm>>
      tpu.enqueue_dma source(%dma_start3A_24 : memref<79x128xi32, #tpu.memory_space<hbm>>) target(%arg7 : memref<79x128xi32, #tpu.memory_space<vmem>>) target_semaphore(%run_scoped3A : memref<!tpu.dma_semaphore, #tpu.memory_space<semaphore_mem>>)
      %dma_wait3A = arith.constant 0 : i32
      %dma_wait3A_25 = arith.constant 0 : i32
      %dma_wait3A_26 = tpu.memref_slice %arg4[%add3A, %dma_wait3A, %dma_wait3A_25] : memref<32x79x128xi32, #tpu.memory_space<hbm>> -> memref<1x79x128xi32, #tpu.memory_space<hbm>>
      %dma_wait3A_27 = tpu.memref_squeeze %dma_wait3A_26 : memref<1x79x128xi32, #tpu.memory_space<hbm>> -> memref<79x128xi32, #tpu.memory_space<hbm>>
      %dma_wait3A_28 = arith.constant 0 : i32
      %dma_wait3A_29 = arith.constant 0 : i32
      %dma_wait3A_30 = tpu.memref_slice %arg4[%add3A, %dma_wait3A_28, %dma_wait3A_29] : memref<32x79x128xi32, #tpu.memory_space<hbm>> -> memref<1x79x128xi32, #tpu.memory_space<hbm>>
      %dma_wait3A_31 = tpu.memref_squeeze %dma_wait3A_30 : memref<1x79x128xi32, #tpu.memory_space<hbm>> -> memref<79x128xi32, #tpu.memory_space<hbm>>
      tpu.wait_dma2 semaphore(%run_scoped3A : memref<!tpu.dma_semaphore, #tpu.memory_space<semaphore_mem>>) src(%dma_wait3A_31 : memref<79x128xi32, #tpu.memory_space<hbm>>) dst(%arg7 : memref<79x128xi32, #tpu.memory_space<vmem>>)
      tpu.yield
    }) : () -> ()
    %scan3A = arith.constant 0 : i32
    %scan3A_1 = arith.constant 1024 : i32
    %scan3A_2 = arith.addi %scan3A, %scan3A_1 : i32
    %scan3A_3 = arith.constant 1 : i32
    scf.for %scan3A_18 = %scan3A to %scan3A_2 step %scan3A_3  : i32 {
      %mul3A_19 = arith.constant 1 : i32
      %mul3A_20 = arith.muli %scan3A_18, %mul3A_19 : i32
      %add3A_21 = arith.constant 0 : i32
      %add3A_22 = arith.addi %add3A_21, %mul3A_20 : i32
      %jit3A = arith.constant 8 : i32
      %div3A = arith.divsi %add3A_22, %jit3A : i32
      %sign3A = arith.constant 0 : i32
      %sign3A_23 = arith.cmpi sgt, %add3A_22, %sign3A : i32
      %sign3A_24 = arith.extui %sign3A_23 : i1 to i32
      %sign3A_25 = arith.constant 0 : i32
      %sign3A_26 = arith.cmpi slt, %add3A_22, %sign3A_25 : i32
      %sign3A_27 = arith.extui %sign3A_26 : i1 to i32
      %sign3A_28 = arith.subi %sign3A_24, %sign3A_27 : i32
      %sign3A_29 = arith.constant 0 : i32
      %sign3A_30 = arith.cmpi sgt, %jit3A, %sign3A_29 : i32
      %sign3A_31 = arith.extui %sign3A_30 : i1 to i32
      %sign3A_32 = arith.constant 0 : i32
      %sign3A_33 = arith.cmpi slt, %jit3A, %sign3A_32 : i32
      %sign3A_34 = arith.extui %sign3A_33 : i1 to i32
      %sign3A_35 = arith.subi %sign3A_31, %sign3A_34 : i32
      %ne3A = arith.cmpi ne, %sign3A_28, %sign3A_35 : i32
      %rem3A = arith.remsi %add3A_22, %jit3A : i32
      %ne3A_36 = arith.constant 0 : i32
      %ne3A_37 = arith.cmpi ne, %rem3A, %ne3A_36 : i32
      %and3A = arith.andi %ne3A, %ne3A_37 : i1
      %sub3A = arith.constant 1 : i32
      %sub3A_38 = arith.subi %div3A, %sub3A : i32
      %select_n3A = arith.select %and3A, %sub3A_38, %div3A : i32
      %jit3A_39 = arith.constant 8 : i32
      %eq3A = arith.constant 0 : i32
      %eq3A_40 = arith.cmpi eq, %jit3A_39, %eq3A : i32
      %jit3A_41 = arith.constant 1 : i32
      %select_n3A_42 = arith.select %eq3A_40, %jit3A_41, %jit3A_39 : i32
      %rem3A_43 = arith.remsi %add3A_22, %select_n3A_42 : i32
      %ne3A_44 = arith.constant 0 : i32
      %ne3A_45 = arith.cmpi ne, %rem3A_43, %ne3A_44 : i32
      %lt3A = arith.constant 0 : i32
      %lt3A_46 = arith.cmpi slt, %rem3A_43, %lt3A : i32
      %lt3A_47 = arith.constant 0 : i32
      %lt3A_48 = arith.cmpi slt, %select_n3A_42, %lt3A_47 : i32
      %ne3A_49 = arith.xori %lt3A_46, %lt3A_48 : i1
      %and3A_50 = arith.andi %ne3A_49, %ne3A_45 : i1
      %add3A_51 = arith.addi %rem3A_43, %select_n3A_42 : i32
      %select_n3A_52 = arith.select %and3A_50, %add3A_51, %rem3A_43 : i32
      %broadcast_in_dim3A = arith.constant 0.000000e+00 : f32
      %broadcast_in_dim3A_53 = vector.broadcast %broadcast_in_dim3A : f32 to vector<16xf32>
      %mul3A_54 = arith.constant 16 : i32
      %mul3A_55 = arith.muli %select_n3A_52, %mul3A_54 : i32
      %swap3A = arith.index_cast %select_n3A : i32 to index
      %swap3A_56 = arith.index_cast %mul3A_55 : i32 to index
      %swap3A_57 = tpu.vector_load %arg8[%swap3A, %swap3A_56] {strides = array<i32>} : memref<128x128xf32, #tpu.memory_space<vmem>>, vector<16xf32>,
      tpu.vector_store %arg8[%swap3A, %swap3A_56], %broadcast_in_dim3A_53 {strides = array<i32>} : memref<128x128xf32, #tpu.memory_space<vmem>>, vector<16xf32>,
    }
    %scan3A_4 = arith.constant 1024 : i32
    %mul3A_5 = arith.constant 640 : i32
    %mul3A_6 = arith.muli %arg1, %mul3A_5 : i32
    %scan3A_7 = arith.constant 0 : i32
    %scan3A_8 = arith.constant 5 : i32
    %scan3A_9 = arith.addi %scan3A_7, %scan3A_8 : i32
    %scan3A_10 = arith.constant 1 : i32
    scf.for %scan3A_18 = %scan3A_7 to %scan3A_9 step %scan3A_10  : i32 {
      %mul3A_19 = arith.constant 1 : i32
      %mul3A_20 = arith.muli %scan3A_18, %mul3A_19 : i32
      %add3A_21 = arith.constant 0 : i32
      %add3A_22 = arith.addi %add3A_21, %mul3A_20 : i32
      %mul3A_23 = arith.constant 128 : i32
      %mul3A_24 = arith.muli %add3A_22, %mul3A_23 : i32
      %add3A_25 = arith.addi %mul3A_6, %mul3A_24 : i32
      "tpu.region"() ({
        %run_scoped3A = tpu.sem_alloc : memref<!tpu.dma_semaphore, #tpu.memory_space<semaphore_mem>>
        %dma_start3A = arith.constant 0 : i32
        %dma_start3A_26 = tpu.memref_slice %arg9[%add3A_25, %dma_start3A] : memref<10240x128xf32, #tpu.memory_space<vmem_shared>> -> memref<128x128xf32, #tpu.memory_space<vmem_shared>>
        %dma_start3A_27 = arith.constant 0 : i32
        %dma_start3A_28 = tpu.memref_slice %arg9[%add3A_25, %dma_start3A_27] : memref<10240x128xf32, #tpu.memory_space<vmem_shared>> -> memref<128x128xf32, #tpu.memory_space<vmem_shared>>
        tpu.enqueue_dma source(%arg8 : memref<128x128xf32, #tpu.memory_space<vmem>>) target(%dma_start3A_28 : memref<128x128xf32, #tpu.memory_space<vmem_shared>>) target_semaphore(%run_scoped3A : memref<!tpu.dma_semaphore, #tpu.memory_space<semaphore_mem>>)
        %dma_wait3A = arith.constant 0 : i32
        %dma_wait3A_29 = tpu.memref_slice %arg9[%add3A_25, %dma_wait3A] : memref<10240x128xf32, #tpu.memory_space<vmem_shared>> -> memref<128x128xf32, #tpu.memory_space<vmem_shared>>
        %dma_wait3A_30 = arith.constant 0 : i32
        %dma_wait3A_31 = tpu.memref_slice %arg9[%add3A_25, %dma_wait3A_30] : memref<10240x128xf32, #tpu.memory_space<vmem_shared>> -> memref<128x128xf32, #tpu.memory_space<vmem_shared>>
        tpu.wait_dma2 semaphore(%run_scoped3A : memref<!tpu.dma_semaphore, #tpu.memory_space<semaphore_mem>>) src(%arg8 : memref<128x128xf32, #tpu.memory_space<vmem>>) dst(%dma_wait3A_31 : memref<128x128xf32, #tpu.memory_space<vmem_shared>>)
        tpu.yield
      }) : () -> ()
    }
    %scan3A_11 = arith.constant 5 : i32
    %barrier3A = arith.constant 0 : index
    tpu.barrier barrier_id(%barrier3A)
    %scan3A_12 = arith.constant 0 : i32
    %scan3A_13 = arith.constant 79 : i32
    %scan3A_14 = arith.addi %scan3A_12, %scan3A_13 : i32
    %scan3A_15 = arith.constant 1 : i32
    scf.for %scan3A_18 = %scan3A_12 to %scan3A_14 step %scan3A_15  : i32 {
      %mul3A_19 = arith.constant 1 : i32
      %mul3A_20 = arith.muli %scan3A_18, %mul3A_19 : i32
      %add3A_21 = arith.constant 0 : i32
      %add3A_22 = arith.addi %add3A_21, %mul3A_20 : i32
      %dma_start3A = arith.constant 0 : i32
      %dma_start3A_23 = tpu.memref_slice %arg6[%add3A_22, %dma_start3A] : memref<79x128xi32, #tpu.memory_space<vmem>> -> memref<1x128xi32, #tpu.memory_space<vmem>>
      %dma_start3A_24 = tpu.memref_squeeze %dma_start3A_23 : memref<1x128xi32, #tpu.memory_space<vmem>> -> memref<128xi32, #tpu.memory_space<vmem>>
      %dma_start3A_25 = arith.constant 0 : i32
      %dma_start3A_26 = arith.constant 0 : i32
      %dma_start3A_27 = tpu.memref_slice %arg2[%dma_start3A_25, %dma_start3A_26] : memref<10000x128xf32, #tpu.memory_space<hbm>> -> memref<10000x128xf32, #tpu.memory_space<hbm>>
      tpu.enqueue_indirect_dma source(%dma_start3A_27 : memref<10000x128xf32, #tpu.memory_space<hbm>>) target(%arg8 : memref<128x128xf32, #tpu.memory_space<vmem>>) offsets(%dma_start3A_24 : memref<128xi32, #tpu.memory_space<vmem>>) semaphore(%arg10 : memref<!tpu.dma_semaphore, #tpu.memory_space<semaphore_mem>>)
      %dma_wait3A = arith.constant 0 : i32
      %dma_wait3A_28 = tpu.memref_slice %arg6[%add3A_22, %dma_wait3A] : memref<79x128xi32, #tpu.memory_space<vmem>> -> memref<1x128xi32, #tpu.memory_space<vmem>>
      %dma_wait3A_29 = tpu.memref_squeeze %dma_wait3A_28 : memref<1x128xi32, #tpu.memory_space<vmem>> -> memref<128xi32, #tpu.memory_space<vmem>>
      %dma_wait3A_30 = arith.constant 0 : i32
      %dma_wait3A_31 = arith.constant 0 : i32
      %dma_wait3A_32 = tpu.memref_slice %arg2[%dma_wait3A_30, %dma_wait3A_31] : memref<10000x128xf32, #tpu.memory_space<hbm>> -> memref<10000x128xf32, #tpu.memory_space<hbm>>
      tpu.wait_indirect_dma semaphore(%arg10 : memref<!tpu.dma_semaphore, #tpu.memory_space<semaphore_mem>>) src(%dma_wait3A_32 : memref<10000x128xf32, #tpu.memory_space<hbm>>) dst(%arg8 : memref<128x128xf32, #tpu.memory_space<vmem>>)
      %dma_start3A_33 = arith.constant 0 : i32
      %dma_start3A_34 = tpu.memref_slice %arg7[%add3A_22, %dma_start3A_33] : memref<79x128xi32, #tpu.memory_space<vmem>> -> memref<1x128xi32, #tpu.memory_space<vmem>>
      %dma_start3A_35 = tpu.memref_squeeze %dma_start3A_34 : memref<1x128xi32, #tpu.memory_space<vmem>> -> memref<128xi32, #tpu.memory_space<vmem>>
      %dma_start3A_36 = arith.constant 0 : i32
      %dma_start3A_37 = arith.constant 0 : i32
      %dma_start3A_38 = tpu.memref_slice %arg9[%dma_start3A_36, %dma_start3A_37] : memref<10240x128xf32, #tpu.memory_space<vmem_shared>> -> memref<10240x128xf32, #tpu.memory_space<vmem_shared>>
      tpu.enqueue_indirect_dma source(%arg8 : memref<128x128xf32, #tpu.memory_space<vmem>>) target(%dma_start3A_38 : memref<10240x128xf32, #tpu.memory_space<vmem_shared>>) offsets(%dma_start3A_35 : memref<128xi32, #tpu.memory_space<vmem>>) semaphore(%arg11 : memref<!tpu.dma_semaphore, #tpu.memory_space<semaphore_mem>>) {add = true}
      %dma_wait3A_39 = arith.constant 0 : i32
      %dma_wait3A_40 = tpu.memref_slice %arg7[%add3A_22, %dma_wait3A_39] : memref<79x128xi32, #tpu.memory_space<vmem>> -> memref<1x128xi32, #tpu.memory_space<vmem>>
      %dma_wait3A_41 = tpu.memref_squeeze %dma_wait3A_40 : memref<1x128xi32, #tpu.memory_space<vmem>> -> memref<128xi32, #tpu.memory_space<vmem>>
      %dma_wait3A_42 = arith.constant 0 : i32
      %dma_wait3A_43 = arith.constant 0 : i32
      %dma_wait3A_44 = tpu.memref_slice %arg9[%dma_wait3A_42, %dma_wait3A_43] : memref<10240x128xf32, #tpu.memory_space<vmem_shared>> -> memref<10240x128xf32, #tpu.memory_space<vmem_shared>>
      tpu.wait_indirect_dma semaphore(%arg11 : memref<!tpu.dma_semaphore, #tpu.memory_space<semaphore_mem>>) src(%arg8 : memref<128x128xf32, #tpu.memory_space<vmem>>) dst(%dma_wait3A_44 : memref<10240x128xf32, #tpu.memory_space<vmem_shared>>)
    }
    %scan3A_16 = arith.constant 79 : i32
    %barrier3A_17 = arith.constant 0 : index
    tpu.barrier barrier_id(%barrier3A_17)
    "tpu.region"() ({
      %run_scoped3A = tpu.sem_alloc : memref<!tpu.dma_semaphore, #tpu.memory_space<semaphore_mem>>
      %dma_start3A = arith.constant 0 : i32
      %dma_start3A_18 = tpu.memref_slice %arg5[%arg0, %mul3A_6, %dma_start3A] : memref<2x10240x128xf32, #tpu.memory_space<hbm>> -> memref<1x640x128xf32, #tpu.memory_space<hbm>>
      %dma_start3A_19 = tpu.memref_squeeze %dma_start3A_18 : memref<1x640x128xf32, #tpu.memory_space<hbm>> -> memref<640x128xf32, #tpu.memory_space<hbm>>
      %dma_start3A_20 = arith.constant 0 : i32
      %dma_start3A_21 = tpu.memref_slice %arg9[%mul3A_6, %dma_start3A_20] : memref<10240x128xf32, #tpu.memory_space<vmem_shared>> -> memref<640x128xf32, #tpu.memory_space<vmem_shared>>
      tpu.enqueue_dma source(%dma_start3A_21 : memref<640x128xf32, #tpu.memory_space<vmem_shared>>) target(%dma_start3A_19 : memref<640x128xf32, #tpu.memory_space<hbm>>) target_semaphore(%run_scoped3A : memref<!tpu.dma_semaphore, #tpu.memory_space<semaphore_mem>>)
      %dma_wait3A = arith.constant 0 : i32
      %dma_wait3A_22 = tpu.memref_slice %arg5[%arg0, %mul3A_6, %dma_wait3A] : memref<2x10240x128xf32, #tpu.memory_space<hbm>> -> memref<1x640x128xf32, #tpu.memory_space<hbm>>
      %dma_wait3A_23 = tpu.memref_squeeze %dma_wait3A_22 : memref<1x640x128xf32, #tpu.memory_space<hbm>> -> memref<640x128xf32, #tpu.memory_space<hbm>>
      %dma_wait3A_24 = arith.constant 0 : i32
      %dma_wait3A_25 = tpu.memref_slice %arg9[%mul3A_6, %dma_wait3A_24] : memref<10240x128xf32, #tpu.memory_space<vmem_shared>> -> memref<640x128xf32, #tpu.memory_space<vmem_shared>>
      tpu.wait_dma2 semaphore(%run_scoped3A : memref<!tpu.dma_semaphore, #tpu.memory_space<semaphore_mem>>) src(%dma_wait3A_25 : memref<640x128xf32, #tpu.memory_space<vmem_shared>>) dst(%dma_wait3A_23 : memref<640x128xf32, #tpu.memory_space<hbm>>)
      tpu.yield
    }) : () -> ()
    return
  }
}

#map = affine_map<(d0, d1) -> (0, 0)>
#map1 = affine_map<(d0, d1) -> (0, 0, 0)>
module attributes {stable_mosaic.version = 14 : i64} {
  func.func @_edge_kernel(%arg0: i32, %arg1: i32, %arg2: memref<10000x128xf32, #tpu.memory_space<hbm>>, %arg3: memref<32x79x128xi32, #tpu.memory_space<hbm>>, %arg4: memref<32x79x128xi32, #tpu.memory_space<hbm>>, %arg5: memref<2x10240x128xf32, #tpu.memory_space<hbm>>, %arg6: memref<79x128xi32, #tpu.memory_space<vmem>>, %arg7: memref<79x128xi32, #tpu.memory_space<vmem>>, %arg8: memref<128x128xf32, #tpu.memory_space<vmem>>, %arg9: memref<10240x128xf32, #tpu.memory_space<vmem_shared>>, %arg10: memref<!tpu.dma_semaphore, #tpu.memory_space<semaphore_mem>>, %arg11: memref<!tpu.dma_semaphore, #tpu.memory_space<semaphore_mem>>) attributes {dimension_semantics = [#tpu.dimension_semantics<core_parallel>, #tpu.dimension_semantics<subcore_parallel>], iteration_bounds = array<i64: 2, 16>, scalar_prefetch = 0 : i64, scratch_operands = 6 : i64, tpu.core_type = #tpu.core_type<sc_vector_subcore>, window_params = [{transform_indices = #map}, {transform_indices = #map1}, {transform_indices = #map1}, {transform_indices = #map1}]} {
    %mul3A = arith.constant 16 : i32
    %mul3A_0 = arith.muli %arg0, %mul3A : i32
    %add3A = arith.addi %mul3A_0, %arg1 : i32
    "tpu.region"() ({
      %run_scoped3A = tpu.sem_alloc : memref<!tpu.dma_semaphore, #tpu.memory_space<semaphore_mem>>
      %dma_start3A = arith.constant 0 : i32
      %dma_start3A_18 = arith.constant 0 : i32
      %dma_start3A_19 = tpu.memref_slice %arg3[%add3A, %dma_start3A, %dma_start3A_18] : memref<32x79x128xi32, #tpu.memory_space<hbm>> -> memref<1x79x128xi32, #tpu.memory_space<hbm>>
      %dma_start3A_20 = tpu.memref_squeeze %dma_start3A_19 : memref<1x79x128xi32, #tpu.memory_space<hbm>> -> memref<79x128xi32, #tpu.memory_space<hbm>>
      %dma_start3A_21 = arith.constant 0 : i32
      %dma_start3A_22 = arith.constant 0 : i32
      %dma_start3A_23 = tpu.memref_slice %arg3[%add3A, %dma_start3A_21, %dma_start3A_22] : memref<32x79x128xi32, #tpu.memory_space<hbm>> -> memref<1x79x128xi32, #tpu.memory_space<hbm>>
      %dma_start3A_24 = tpu.memref_squeeze %dma_start3A_23 : memref<1x79x128xi32, #tpu.memory_space<hbm>> -> memref<79x128xi32, #tpu.memory_space<hbm>>
      tpu.enqueue_dma source(%dma_start3A_24 : memref<79x128xi32, #tpu.memory_space<hbm>>) target(%arg6 : memref<79x128xi32, #tpu.memory_space<vmem>>) target_semaphore(%run_scoped3A : memref<!tpu.dma_semaphore, #tpu.memory_space<semaphore_mem>>)
      %dma_wait3A = arith.constant 0 : i32
      %dma_wait3A_25 = arith.constant 0 : i32
      %dma_wait3A_26 = tpu.memref_slice %arg3[%add3A, %dma_wait3A, %dma_wait3A_25] : memref<32x79x128xi32, #tpu.memory_space<hbm>> -> memref<1x79x128xi32, #tpu.memory_space<hbm>>
      %dma_wait3A_27 = tpu.memref_squeeze %dma_wait3A_26 : memref<1x79x128xi32, #tpu.memory_space<hbm>> -> memref<79x128xi32, #tpu.memory_space<hbm>>
      %dma_wait3A_28 = arith.constant 0 : i32
      %dma_wait3A_29 = arith.constant 0 : i32
      %dma_wait3A_30 = tpu.memref_slice %arg3[%add3A, %dma_wait3A_28, %dma_wait3A_29] : memref<32x79x128xi32, #tpu.memory_space<hbm>> -> memref<1x79x128xi32, #tpu.memory_space<hbm>>
      %dma_wait3A_31 = tpu.memref_squeeze %dma_wait3A_30 : memref<1x79x128xi32, #tpu.memory_space<hbm>> -> memref<79x128xi32, #tpu.memory_space<hbm>>
      tpu.wait_dma2 semaphore(%run_scoped3A : memref<!tpu.dma_semaphore, #tpu.memory_space<semaphore_mem>>) src(%dma_wait3A_31 : memref<79x128xi32, #tpu.memory_space<hbm>>) dst(%arg6 : memref<79x128xi32, #tpu.memory_space<vmem>>)
      tpu.yield
    }) : () -> ()
    "tpu.region"() ({
      %run_scoped3A = tpu.sem_alloc : memref<!tpu.dma_semaphore, #tpu.memory_space<semaphore_mem>>
      %dma_start3A = arith.constant 0 : i32
      %dma_start3A_18 = arith.constant 0 : i32
      %dma_start3A_19 = tpu.memref_slice %arg4[%add3A, %dma_start3A, %dma_start3A_18] : memref<32x79x128xi32, #tpu.memory_space<hbm>> -> memref<1x79x128xi32, #tpu.memory_space<hbm>>
      %dma_start3A_20 = tpu.memref_squeeze %dma_start3A_19 : memref<1x79x128xi32, #tpu.memory_space<hbm>> -> memref<79x128xi32, #tpu.memory_space<hbm>>
      %dma_start3A_21 = arith.constant 0 : i32
      %dma_start3A_22 = arith.constant 0 : i32
      %dma_start3A_23 = tpu.memref_slice %arg4[%add3A, %dma_start3A_21, %dma_start3A_22] : memref<32x79x128xi32, #tpu.memory_space<hbm>> -> memref<1x79x128xi32, #tpu.memory_space<hbm>>
      %dma_start3A_24 = tpu.memref_squeeze %dma_start3A_23 : memref<1x79x128xi32, #tpu.memory_space<hbm>> -> memref<79x128xi32, #tpu.memory_space<hbm>>
      tpu.enqueue_dma source(%dma_start3A_24 : memref<79x128xi32, #tpu.memory_space<hbm>>) target(%arg7 : memref<79x128xi32, #tpu.memory_space<vmem>>) target_semaphore(%run_scoped3A : memref<!tpu.dma_semaphore, #tpu.memory_space<semaphore_mem>>)
      %dma_wait3A = arith.constant 0 : i32
      %dma_wait3A_25 = arith.constant 0 : i32
      %dma_wait3A_26 = tpu.memref_slice %arg4[%add3A, %dma_wait3A, %dma_wait3A_25] : memref<32x79x128xi32, #tpu.memory_space<hbm>> -> memref<1x79x128xi32, #tpu.memory_space<hbm>>
      %dma_wait3A_27 = tpu.memref_squeeze %dma_wait3A_26 : memref<1x79x128xi32, #tpu.memory_space<hbm>> -> memref<79x128xi32, #tpu.memory_space<hbm>>
      %dma_wait3A_28 = arith.constant 0 : i32
      %dma_wait3A_29 = arith.constant 0 : i32
      %dma_wait3A_30 = tpu.memref_slice %arg4[%add3A, %dma_wait3A_28, %dma_wait3A_29] : memref<32x79x128xi32, #tpu.memory_space<hbm>> -> memref<1x79x128xi32, #tpu.memory_space<hbm>>
      %dma_wait3A_31 = tpu.memref_squeeze %dma_wait3A_30 : memref<1x79x128xi32, #tpu.memory_space<hbm>> -> memref<79x128xi32, #tpu.memory_space<hbm>>
      tpu.wait_dma2 semaphore(%run_scoped3A : memref<!tpu.dma_semaphore, #tpu.memory_space<semaphore_mem>>) src(%dma_wait3A_31 : memref<79x128xi32, #tpu.memory_space<hbm>>) dst(%arg7 : memref<79x128xi32, #tpu.memory_space<vmem>>)
      tpu.yield
    }) : () -> ()
    %scan3A = arith.constant 0 : i32
    %scan3A_1 = arith.constant 1024 : i32
    %scan3A_2 = arith.addi %scan3A, %scan3A_1 : i32
    %scan3A_3 = arith.constant 1 : i32
    scf.for %scan3A_18 = %scan3A to %scan3A_2 step %scan3A_3  : i32 {
      %mul3A_19 = arith.constant 1 : i32
      %mul3A_20 = arith.muli %scan3A_18, %mul3A_19 : i32
      %add3A_21 = arith.constant 0 : i32
      %add3A_22 = arith.addi %add3A_21, %mul3A_20 : i32
      %jit3A = arith.constant 8 : i32
      %div3A = arith.divsi %add3A_22, %jit3A : i32
      %sign3A = arith.constant 0 : i32
      %sign3A_23 = arith.cmpi sgt, %add3A_22, %sign3A : i32
      %sign3A_24 = arith.extui %sign3A_23 : i1 to i32
      %sign3A_25 = arith.constant 0 : i32
      %sign3A_26 = arith.cmpi slt, %add3A_22, %sign3A_25 : i32
      %sign3A_27 = arith.extui %sign3A_26 : i1 to i32
      %sign3A_28 = arith.subi %sign3A_24, %sign3A_27 : i32
      %sign3A_29 = arith.constant 0 : i32
      %sign3A_30 = arith.cmpi sgt, %jit3A, %sign3A_29 : i32
      %sign3A_31 = arith.extui %sign3A_30 : i1 to i32
      %sign3A_32 = arith.constant 0 : i32
      %sign3A_33 = arith.cmpi slt, %jit3A, %sign3A_32 : i32
      %sign3A_34 = arith.extui %sign3A_33 : i1 to i32
      %sign3A_35 = arith.subi %sign3A_31, %sign3A_34 : i32
      %ne3A = arith.cmpi ne, %sign3A_28, %sign3A_35 : i32
      %rem3A = arith.remsi %add3A_22, %jit3A : i32
      %ne3A_36 = arith.constant 0 : i32
      %ne3A_37 = arith.cmpi ne, %rem3A, %ne3A_36 : i32
      %and3A = arith.andi %ne3A, %ne3A_37 : i1
      %sub3A = arith.constant 1 : i32
      %sub3A_38 = arith.subi %div3A, %sub3A : i32
      %select_n3A = arith.select %and3A, %sub3A_38, %div3A : i32
      %jit3A_39 = arith.constant 8 : i32
      %eq3A = arith.constant 0 : i32
      %eq3A_40 = arith.cmpi eq, %jit3A_39, %eq3A : i32
      %jit3A_41 = arith.constant 1 : i32
      %select_n3A_42 = arith.select %eq3A_40, %jit3A_41, %jit3A_39 : i32
      %rem3A_43 = arith.remsi %add3A_22, %select_n3A_42 : i32
      %ne3A_44 = arith.constant 0 : i32
      %ne3A_45 = arith.cmpi ne, %rem3A_43, %ne3A_44 : i32
      %lt3A = arith.constant 0 : i32
      %lt3A_46 = arith.cmpi slt, %rem3A_43, %lt3A : i32
      %lt3A_47 = arith.constant 0 : i32
      %lt3A_48 = arith.cmpi slt, %select_n3A_42, %lt3A_47 : i32
      %ne3A_49 = arith.xori %lt3A_46, %lt3A_48 : i1
      %and3A_50 = arith.andi %ne3A_49, %ne3A_45 : i1
      %add3A_51 = arith.addi %rem3A_43, %select_n3A_42 : i32
      %select_n3A_52 = arith.select %and3A_50, %add3A_51, %rem3A_43 : i32
      %broadcast_in_dim3A = arith.constant 0.000000e+00 : f32
      %broadcast_in_dim3A_53 = vector.broadcast %broadcast_in_dim3A : f32 to vector<16xf32>
      %mul3A_54 = arith.constant 16 : i32
      %mul3A_55 = arith.muli %select_n3A_52, %mul3A_54 : i32
      %swap3A = arith.index_cast %select_n3A : i32 to index
      %swap3A_56 = arith.index_cast %mul3A_55 : i32 to index
      %swap3A_57 = tpu.vector_load %arg8[%swap3A, %swap3A_56] {strides = array<i32>} : memref<128x128xf32, #tpu.memory_space<vmem>>, vector<16xf32>,
      tpu.vector_store %arg8[%swap3A, %swap3A_56], %broadcast_in_dim3A_53 {strides = array<i32>} : memref<128x128xf32, #tpu.memory_space<vmem>>, vector<16xf32>,
    }
    %scan3A_4 = arith.constant 1024 : i32
    %mul3A_5 = arith.constant 640 : i32
    %mul3A_6 = arith.muli %arg1, %mul3A_5 : i32
    %scan3A_7 = arith.constant 0 : i32
    %scan3A_8 = arith.constant 5 : i32
    %scan3A_9 = arith.addi %scan3A_7, %scan3A_8 : i32
    %scan3A_10 = arith.constant 1 : i32
    scf.for %scan3A_18 = %scan3A_7 to %scan3A_9 step %scan3A_10  : i32 {
      %mul3A_19 = arith.constant 1 : i32
      %mul3A_20 = arith.muli %scan3A_18, %mul3A_19 : i32
      %add3A_21 = arith.constant 0 : i32
      %add3A_22 = arith.addi %add3A_21, %mul3A_20 : i32
      %mul3A_23 = arith.constant 128 : i32
      %mul3A_24 = arith.muli %add3A_22, %mul3A_23 : i32
      %add3A_25 = arith.addi %mul3A_6, %mul3A_24 : i32
      "tpu.region"() ({
        %run_scoped3A = tpu.sem_alloc : memref<!tpu.dma_semaphore, #tpu.memory_space<semaphore_mem>>
        %dma_start3A = arith.constant 0 : i32
        %dma_start3A_26 = tpu.memref_slice %arg9[%add3A_25, %dma_start3A] : memref<10240x128xf32, #tpu.memory_space<vmem_shared>> -> memref<128x128xf32, #tpu.memory_space<vmem_shared>>
        %dma_start3A_27 = arith.constant 0 : i32
        %dma_start3A_28 = tpu.memref_slice %arg9[%add3A_25, %dma_start3A_27] : memref<10240x128xf32, #tpu.memory_space<vmem_shared>> -> memref<128x128xf32, #tpu.memory_space<vmem_shared>>
        tpu.enqueue_dma source(%arg8 : memref<128x128xf32, #tpu.memory_space<vmem>>) target(%dma_start3A_28 : memref<128x128xf32, #tpu.memory_space<vmem_shared>>) target_semaphore(%run_scoped3A : memref<!tpu.dma_semaphore, #tpu.memory_space<semaphore_mem>>)
        %dma_wait3A = arith.constant 0 : i32
        %dma_wait3A_29 = tpu.memref_slice %arg9[%add3A_25, %dma_wait3A] : memref<10240x128xf32, #tpu.memory_space<vmem_shared>> -> memref<128x128xf32, #tpu.memory_space<vmem_shared>>
        %dma_wait3A_30 = arith.constant 0 : i32
        %dma_wait3A_31 = tpu.memref_slice %arg9[%add3A_25, %dma_wait3A_30] : memref<10240x128xf32, #tpu.memory_space<vmem_shared>> -> memref<128x128xf32, #tpu.memory_space<vmem_shared>>
        tpu.wait_dma2 semaphore(%run_scoped3A : memref<!tpu.dma_semaphore, #tpu.memory_space<semaphore_mem>>) src(%arg8 : memref<128x128xf32, #tpu.memory_space<vmem>>) dst(%dma_wait3A_31 : memref<128x128xf32, #tpu.memory_space<vmem_shared>>)
        tpu.yield
      }) : () -> ()
    }
    %scan3A_11 = arith.constant 5 : i32
    %barrier3A = arith.constant 0 : index
    tpu.barrier barrier_id(%barrier3A)
    %scan3A_12 = arith.constant 0 : i32
    %scan3A_13 = arith.constant 79 : i32
    %scan3A_14 = arith.addi %scan3A_12, %scan3A_13 : i32
    %scan3A_15 = arith.constant 1 : i32
    scf.for %scan3A_18 = %scan3A_12 to %scan3A_14 step %scan3A_15  : i32 {
      %mul3A_19 = arith.constant 1 : i32
      %mul3A_20 = arith.muli %scan3A_18, %mul3A_19 : i32
      %add3A_21 = arith.constant 0 : i32
      %add3A_22 = arith.addi %add3A_21, %mul3A_20 : i32
      %dma_start3A = arith.constant 0 : i32
      %dma_start3A_23 = tpu.memref_slice %arg6[%add3A_22, %dma_start3A] : memref<79x128xi32, #tpu.memory_space<vmem>> -> memref<1x128xi32, #tpu.memory_space<vmem>>
      %dma_start3A_24 = tpu.memref_squeeze %dma_start3A_23 : memref<1x128xi32, #tpu.memory_space<vmem>> -> memref<128xi32, #tpu.memory_space<vmem>>
      %dma_start3A_25 = arith.constant 0 : i32
      %dma_start3A_26 = arith.constant 0 : i32
      %dma_start3A_27 = tpu.memref_slice %arg2[%dma_start3A_25, %dma_start3A_26] : memref<10000x128xf32, #tpu.memory_space<hbm>> -> memref<10000x128xf32, #tpu.memory_space<hbm>>
      tpu.enqueue_indirect_dma source(%dma_start3A_27 : memref<10000x128xf32, #tpu.memory_space<hbm>>) target(%arg8 : memref<128x128xf32, #tpu.memory_space<vmem>>) offsets(%dma_start3A_24 : memref<128xi32, #tpu.memory_space<vmem>>) semaphore(%arg10 : memref<!tpu.dma_semaphore, #tpu.memory_space<semaphore_mem>>)
      %dma_wait3A = arith.constant 0 : i32
      %dma_wait3A_28 = tpu.memref_slice %arg6[%add3A_22, %dma_wait3A] : memref<79x128xi32, #tpu.memory_space<vmem>> -> memref<1x128xi32, #tpu.memory_space<vmem>>
      %dma_wait3A_29 = tpu.memref_squeeze %dma_wait3A_28 : memref<1x128xi32, #tpu.memory_space<vmem>> -> memref<128xi32, #tpu.memory_space<vmem>>
      %dma_wait3A_30 = arith.constant 0 : i32
      %dma_wait3A_31 = arith.constant 0 : i32
      %dma_wait3A_32 = tpu.memref_slice %arg2[%dma_wait3A_30, %dma_wait3A_31] : memref<10000x128xf32, #tpu.memory_space<hbm>> -> memref<10000x128xf32, #tpu.memory_space<hbm>>
      tpu.wait_indirect_dma semaphore(%arg10 : memref<!tpu.dma_semaphore, #tpu.memory_space<semaphore_mem>>) src(%dma_wait3A_32 : memref<10000x128xf32, #tpu.memory_space<hbm>>) dst(%arg8 : memref<128x128xf32, #tpu.memory_space<vmem>>)
      %dma_start3A_33 = arith.constant 0 : i32
      %dma_start3A_34 = tpu.memref_slice %arg7[%add3A_22, %dma_start3A_33] : memref<79x128xi32, #tpu.memory_space<vmem>> -> memref<1x128xi32, #tpu.memory_space<vmem>>
      %dma_start3A_35 = tpu.memref_squeeze %dma_start3A_34 : memref<1x128xi32, #tpu.memory_space<vmem>> -> memref<128xi32, #tpu.memory_space<vmem>>
      %dma_start3A_36 = arith.constant 0 : i32
      %dma_start3A_37 = arith.constant 0 : i32
      %dma_start3A_38 = tpu.memref_slice %arg9[%dma_start3A_36, %dma_start3A_37] : memref<10240x128xf32, #tpu.memory_space<vmem_shared>> -> memref<10240x128xf32, #tpu.memory_space<vmem_shared>>
      tpu.enqueue_indirect_dma source(%arg8 : memref<128x128xf32, #tpu.memory_space<vmem>>) target(%dma_start3A_38 : memref<10240x128xf32, #tpu.memory_space<vmem_shared>>) offsets(%dma_start3A_35 : memref<128xi32, #tpu.memory_space<vmem>>) semaphore(%arg11 : memref<!tpu.dma_semaphore, #tpu.memory_space<semaphore_mem>>) {add = true}
      %dma_wait3A_39 = arith.constant 0 : i32
      %dma_wait3A_40 = tpu.memref_slice %arg7[%add3A_22, %dma_wait3A_39] : memref<79x128xi32, #tpu.memory_space<vmem>> -> memref<1x128xi32, #tpu.memory_space<vmem>>
      %dma_wait3A_41 = tpu.memref_squeeze %dma_wait3A_40 : memref<1x128xi32, #tpu.memory_space<vmem>> -> memref<128xi32, #tpu.memory_space<vmem>>
      %dma_wait3A_42 = arith.constant 0 : i32
      %dma_wait3A_43 = arith.constant 0 : i32
      %dma_wait3A_44 = tpu.memref_slice %arg9[%dma_wait3A_42, %dma_wait3A_43] : memref<10240x128xf32, #tpu.memory_space<vmem_shared>> -> memref<10240x128xf32, #tpu.memory_space<vmem_shared>>
      tpu.wait_indirect_dma semaphore(%arg11 : memref<!tpu.dma_semaphore, #tpu.memory_space<semaphore_mem>>) src(%arg8 : memref<128x128xf32, #tpu.memory_space<vmem>>) dst(%dma_wait3A_44 : memref<10240x128xf32, #tpu.memory_space<vmem_shared>>)
    }
    %scan3A_16 = arith.constant 79 : i32
    %barrier3A_17 = arith.constant 0 : index
    tpu.barrier barrier_id(%barrier3A_17)
    "tpu.region"() ({
      %run_scoped3A = tpu.sem_alloc : memref<!tpu.dma_semaphore, #tpu.memory_space<semaphore_mem>>
      %dma_start3A = arith.constant 0 : i32
      %dma_start3A_18 = tpu.memref_slice %arg5[%arg0, %mul3A_6, %dma_start3A] : memref<2x10240x128xf32, #tpu.memory_space<hbm>> -> memref<1x640x128xf32, #tpu.memory_space<hbm>>
      %dma_start3A_19 = tpu.memref_squeeze %dma_start3A_18 : memref<1x640x128xf32, #tpu.memory_space<hbm>> -> memref<640x128xf32, #tpu.memory_space<hbm>>
      %dma_start3A_20 = arith.constant 0 : i32
      %dma_start3A_21 = tpu.memref_slice %arg9[%mul3A_6, %dma_start3A_20] : memref<10240x128xf32, #tpu.memory_space<vmem_shared>> -> memref<640x128xf32, #tpu.memory_space<vmem_shared>>
      tpu.enqueue_dma source(%dma_start3A_21 : memref<640x128xf32, #tpu.memory_space<vmem_shared>>) target(%dma_start3A_19 : memref<640x128xf32, #tpu.memory_space<hbm>>) target_semaphore(%run_scoped3A : memref<!tpu.dma_semaphore, #tpu.memory_space<semaphore_mem>>)
      %dma_wait3A = arith.constant 0 : i32
      %dma_wait3A_22 = tpu.memref_slice %arg5[%arg0, %mul3A_6, %dma_wait3A] : memref<2x10240x128xf32, #tpu.memory_space<hbm>> -> memref<1x640x128xf32, #tpu.memory_space<hbm>>
      %dma_wait3A_23 = tpu.memref_squeeze %dma_wait3A_22 : memref<1x640x128xf32, #tpu.memory_space<hbm>> -> memref<640x128xf32, #tpu.memory_space<hbm>>
      %dma_wait3A_24 = arith.constant 0 : i32
      %dma_wait3A_25 = tpu.memref_slice %arg9[%mul3A_6, %dma_wait3A_24] : memref<10240x128xf32, #tpu.memory_space<vmem_shared>> -> memref<640x128xf32, #tpu.memory_space<vmem_shared>>
      tpu.wait_dma2 semaphore(%run_scoped3A : memref<!tpu.dma_semaphore, #tpu.memory_space<semaphore_mem>>) src(%dma_wait3A_25 : memref<640x128xf32, #tpu.memory_space<vmem_shared>>) dst(%dma_wait3A_23 : memref<640x128xf32, #tpu.memory_space<hbm>>)
      tpu.yield
    }) : () -> ()
    return
  }
}

module attributes {stable_mosaic.version = 14 : i64} {
  func.func @_k2_body(%arg0: memref<10000x128xf32, #tpu.memory_space<vmem>>, %arg1: memref<128x128xf32, #tpu.memory_space<vmem>>, %arg2: memref<32x10240xf32, #tpu.memory_space<vmem>>, %arg3: memref<10000x128xf32, #tpu.memory_space<vmem>>, %arg4: memref<10000x1xf32, #tpu.memory_space<vmem>>) attributes {dimension_semantics = [], scalar_prefetch = 0 : i64, scratch_operands = 0 : i64, tpu.core_type = #tpu.core_type<tc>} {
    %get3A = arith.constant 0 : index
    %get3A_0 = arith.constant 0 : index
    %get3A_1 = vector.load %arg2[%get3A, %get3A_0] : memref<32x10240xf32, #tpu.memory_space<vmem>>, vector<32x10240xf32>
    %reduce_sum3A = arith.constant dense<0.000000e+00> : vector<10240xf32>
    %reduce_sum3A_2 = vector.multi_reduction <add>, %get3A_1, %reduce_sum3A [0] : vector<32x10240xf32> to vector<10240xf32>
    %slice3A = vector.extract_strided_slice %reduce_sum3A_2 {offsets = [0], sizes = [10000], strides = [1]} : vector<10240xf32> to vector<10000xf32>
    %gt3A = arith.constant 0.000000e+00 : f32
    %gt3A_3 = vector.broadcast %gt3A : f32 to vector<10000xf32>
    %gt3A_4 = arith.cmpf ogt, %slice3A, %gt3A_3 : vector<10000xf32>
    %max3A = arith.constant 9.99999996E-13 : f32
    %max3A_5 = vector.broadcast %max3A : f32 to vector<10000xf32>
    %max3A_6 = arith.maximumf %slice3A, %max3A_5 : vector<10000xf32>
    %rsqrt3A = math.rsqrt %max3A_6 : vector<10000xf32>
    %jit3A = arith.constant 0.000000e+00 : f32
    %broadcast_in_dim3A = vector.broadcast %jit3A : f32 to vector<10000xf32>
    %select_n3A = arith.select %gt3A_4, %rsqrt3A, %broadcast_in_dim3A : vector<10000xi1>, vector<10000xf32>
    %get3A_7 = arith.constant 0 : index
    %get3A_8 = arith.constant 0 : index
    %get3A_9 = vector.load %arg0[%get3A_7, %get3A_8] : memref<10000x128xf32, #tpu.memory_space<vmem>>, vector<10000x128xf32>
    %get3A_10 = arith.constant 0 : index
    %get3A_11 = arith.constant 0 : index
    %get3A_12 = vector.load %arg1[%get3A_10, %get3A_11] : memref<128x128xf32, #tpu.memory_space<vmem>>, vector<128x128xf32>
    %dot_general3A = arith.constant dense<0.000000e+00> : vector<10000x128xf32>
    %dot_general3A_13 = tpu.matmul %get3A_9, %get3A_12, %dot_general3A {dimension_numbers = #tpu.dot_dimension_numbers<[1], [0], [0], [1], [0, 0, 1, 1], [], []>, transpose_lhs_hint = false} : vector<10000x128xf32>, vector<128x128xf32>, vector<10000x128xf32> -> vector<10000x128xf32>
    %broadcast_in_dim3A_14 = vector.shape_cast %select_n3A : vector<10000xf32> to vector<10000x1xf32>
    %mul3A = vector.broadcast %broadcast_in_dim3A_14 : vector<10000x1xf32> to vector<10000x128xf32>
    %mul3A_15 = arith.mulf %dot_general3A_13, %mul3A : vector<10000x128xf32>
    %swap3A = arith.constant 0 : index
    %swap3A_16 = arith.constant 0 : index
    %swap3A_17 = vector.load %arg3[%swap3A, %swap3A_16] : memref<10000x128xf32, #tpu.memory_space<vmem>>, vector<10000x128xf32>
    tpu.vector_store %arg3[%swap3A, %swap3A_16], %mul3A_15 {strides = array<i32>} : memref<10000x128xf32, #tpu.memory_space<vmem>>, vector<10000x128xf32>,
    %broadcast_in_dim3A_18 = vector.shape_cast %select_n3A : vector<10000xf32> to vector<10000x1xf32>
    %swap3A_19 = arith.constant 0 : index
    %swap3A_20 = arith.constant 0 : index
    %swap3A_21 = vector.load %arg4[%swap3A_19, %swap3A_20] : memref<10000x1xf32, #tpu.memory_space<vmem>>, vector<10000x1xf32>
    tpu.vector_store %arg4[%swap3A_19, %swap3A_20], %broadcast_in_dim3A_18 {strides = array<i32>} : memref<10000x1xf32, #tpu.memory_space<vmem>>, vector<10000x1xf32>,
    return
  }
}

module attributes {stable_mosaic.version = 14 : i64} {
  func.func @_k4_body(%arg0: memref<2x10240x128xf32, #tpu.memory_space<vmem>>, %arg1: memref<10000x1xf32, #tpu.memory_space<vmem>>, %arg2: memref<1x128xf32, #tpu.memory_space<vmem>>, %arg3: memref<128x128xf32, #tpu.memory_space<vmem>>, %arg4: memref<10000x128xf32, #tpu.memory_space<vmem>>) attributes {dimension_semantics = [], scalar_prefetch = 0 : i64, scratch_operands = 0 : i64, tpu.core_type = #tpu.core_type<tc>} {
    %get3A = arith.constant 0 : index
    %get3A_0 = arith.constant 0 : index
    %get3A_1 = vector.load %arg1[%get3A, %get3A_0] : memref<10000x1xf32, #tpu.memory_space<vmem>>, vector<10000x1xf32>
    %get3A_2 = arith.constant 0 : index
    %get3A_3 = arith.constant 0 : index
    %get3A_4 = arith.constant 0 : index
    %get3A_5 = vector.load %arg0[%get3A_2, %get3A_3, %get3A_4] : memref<2x10240x128xf32, #tpu.memory_space<vmem>>, vector<1x10000x128xf32>
    %get3A_6 = vector.shape_cast %get3A_5 : vector<1x10000x128xf32> to vector<10000x128xf32>
    %get3A_7 = arith.constant 1 : index
    %get3A_8 = arith.constant 0 : index
    %get3A_9 = arith.constant 0 : index
    %get3A_10 = vector.load %arg0[%get3A_7, %get3A_8, %get3A_9] : memref<2x10240x128xf32, #tpu.memory_space<vmem>>, vector<1x10000x128xf32>
    %get3A_11 = vector.shape_cast %get3A_10 : vector<1x10000x128xf32> to vector<10000x128xf32>
    %add3A = arith.addf %get3A_6, %get3A_11 : vector<10000x128xf32>
    %mul3A = vector.broadcast %get3A_1 : vector<10000x1xf32> to vector<10000x128xf32>
    %mul3A_12 = arith.mulf %add3A, %mul3A : vector<10000x128xf32>
    %get3A_13 = arith.constant 0 : index
    %get3A_14 = arith.constant 0 : index
    %get3A_15 = vector.load %arg2[%get3A_13, %get3A_14] : memref<1x128xf32, #tpu.memory_space<vmem>>, vector<1x128xf32>
    %add3A_16 = vector.broadcast %get3A_15 : vector<1x128xf32> to vector<10000x128xf32>
    %add3A_17 = arith.addf %mul3A_12, %add3A_16 : vector<10000x128xf32>
    %max3A = arith.constant 0.000000e+00 : f32
    %max3A_18 = vector.broadcast %max3A : f32 to vector<10000x128xf32>
    %max3A_19 = arith.maximumf %add3A_17, %max3A_18 : vector<10000x128xf32>
    %get3A_20 = arith.constant 0 : index
    %get3A_21 = arith.constant 0 : index
    %get3A_22 = vector.load %arg3[%get3A_20, %get3A_21] : memref<128x128xf32, #tpu.memory_space<vmem>>, vector<128x128xf32>
    %dot_general3A = arith.constant dense<0.000000e+00> : vector<10000x128xf32>
    %dot_general3A_23 = tpu.matmul %max3A_19, %get3A_22, %dot_general3A {dimension_numbers = #tpu.dot_dimension_numbers<[1], [0], [0], [1], [0, 0, 1, 1], [], []>, transpose_lhs_hint = false} : vector<10000x128xf32>, vector<128x128xf32>, vector<10000x128xf32> -> vector<10000x128xf32>
    %mul3A_24 = vector.broadcast %get3A_1 : vector<10000x1xf32> to vector<10000x128xf32>
    %mul3A_25 = arith.mulf %dot_general3A_23, %mul3A_24 : vector<10000x128xf32>
    %swap3A = arith.constant 0 : index
    %swap3A_26 = arith.constant 0 : index
    %swap3A_27 = vector.load %arg4[%swap3A, %swap3A_26] : memref<10000x128xf32, #tpu.memory_space<vmem>>, vector<10000x128xf32>
    tpu.vector_store %arg4[%swap3A, %swap3A_26], %mul3A_25 {strides = array<i32>} : memref<10000x128xf32, #tpu.memory_space<vmem>>, vector<10000x128xf32>,
    return
  }
}

module attributes {stable_mosaic.version = 14 : i64} {
  func.func @_k6_body(%arg0: memref<2x10240x128xf32, #tpu.memory_space<vmem>>, %arg1: memref<10000x1xf32, #tpu.memory_space<vmem>>, %arg2: memref<1x128xf32, #tpu.memory_space<vmem>>, %arg3: memref<10000x1xi32, #tpu.memory_space<vmem>>, %arg4: memref<128x64xf32, #tpu.memory_space<vmem>>, %arg5: memref<1x64xf32, #tpu.memory_space<vmem>>, %arg6: memref<128x64xf32, #tpu.memory_space<vmem>>) attributes {dimension_semantics = [], scalar_prefetch = 0 : i64, scratch_operands = 0 : i64, tpu.core_type = #tpu.core_type<tc>} {
    %get3A = arith.constant 0 : index
    %get3A_0 = arith.constant 0 : index
    %get3A_1 = arith.constant 0 : index
    %get3A_2 = vector.load %arg0[%get3A, %get3A_0, %get3A_1] : memref<2x10240x128xf32, #tpu.memory_space<vmem>>, vector<1x10000x128xf32>
    %get3A_3 = vector.shape_cast %get3A_2 : vector<1x10000x128xf32> to vector<10000x128xf32>
    %get3A_4 = arith.constant 1 : index
    %get3A_5 = arith.constant 0 : index
    %get3A_6 = arith.constant 0 : index
    %get3A_7 = vector.load %arg0[%get3A_4, %get3A_5, %get3A_6] : memref<2x10240x128xf32, #tpu.memory_space<vmem>>, vector<1x10000x128xf32>
    %get3A_8 = vector.shape_cast %get3A_7 : vector<1x10000x128xf32> to vector<10000x128xf32>
    %add3A = arith.addf %get3A_3, %get3A_8 : vector<10000x128xf32>
    %get3A_9 = arith.constant 0 : index
    %get3A_10 = arith.constant 0 : index
    %get3A_11 = vector.load %arg1[%get3A_9, %get3A_10] : memref<10000x1xf32, #tpu.memory_space<vmem>>, vector<10000x1xf32>
    %mul3A = vector.broadcast %get3A_11 : vector<10000x1xf32> to vector<10000x128xf32>
    %mul3A_12 = arith.mulf %add3A, %mul3A : vector<10000x128xf32>
    %get3A_13 = arith.constant 0 : index
    %get3A_14 = arith.constant 0 : index
    %get3A_15 = vector.load %arg2[%get3A_13, %get3A_14] : memref<1x128xf32, #tpu.memory_space<vmem>>, vector<1x128xf32>
    %add3A_16 = vector.broadcast %get3A_15 : vector<1x128xf32> to vector<10000x128xf32>
    %add3A_17 = arith.addf %mul3A_12, %add3A_16 : vector<10000x128xf32>
    %iota3A = tpu.iota {dimensions = array<i32: 1>} : vector<10000x128xi32>
    %get3A_18 = arith.constant 0 : index
    %get3A_19 = arith.constant 0 : index
    %get3A_20 = vector.load %arg3[%get3A_18, %get3A_19] : memref<10000x1xi32, #tpu.memory_space<vmem>>, vector<10000x1xi32>
    %eq3A = vector.broadcast %get3A_20 : vector<10000x1xi32> to vector<10000x128xi32>
    %eq3A_21 = arith.cmpi eq, %eq3A, %iota3A : vector<10000x128xi32>
    %convert_element_type3A = arith.extui %eq3A_21 : vector<10000x128xi1> to vector<10000x128xi32>
    %convert_element_type3A_22 = arith.sitofp %convert_element_type3A : vector<10000x128xi32> to vector<10000x128xf32>
    %dot_general3A = arith.constant dense<0.000000e+00> : vector<128x128xf32>
    %dot_general3A_23 = tpu.matmul %convert_element_type3A_22, %add3A_17, %dot_general3A {dimension_numbers = #tpu.dot_dimension_numbers<[0], [0], [1], [1], [0, 1, 1, 1], [], []>, transpose_lhs_hint = false} : vector<10000x128xf32>, vector<10000x128xf32>, vector<128x128xf32> -> vector<128x128xf32>
    %reduce_sum3A = arith.constant dense<0.000000e+00> : vector<128xf32>
    %reduce_sum3A_24 = vector.multi_reduction <add>, %convert_element_type3A_22, %reduce_sum3A [0] : vector<10000x128xf32> to vector<128xf32>
    %jit3A = arith.constant 1.000000e+00 : f32
    %max3A = vector.broadcast %jit3A : f32 to vector<128xf32>
    %max3A_25 = arith.maximumf %max3A, %reduce_sum3A_24 : vector<128xf32>
    %broadcast_in_dim3A = vector.shape_cast %max3A_25 : vector<128xf32> to vector<128x1xf32>
    %div3A = vector.broadcast %broadcast_in_dim3A : vector<128x1xf32> to vector<128x128xf32>
    %div3A_26 = arith.divf %dot_general3A_23, %div3A : vector<128x128xf32>
    %get3A_27 = arith.constant 0 : index
    %get3A_28 = arith.constant 0 : index
    %get3A_29 = vector.load %arg4[%get3A_27, %get3A_28] : memref<128x64xf32, #tpu.memory_space<vmem>>, vector<128x64xf32>
    %dot_general3A_30 = arith.constant dense<0.000000e+00> : vector<128x64xf32>
    %dot_general3A_31 = tpu.matmul %div3A_26, %get3A_29, %dot_general3A_30 {dimension_numbers = #tpu.dot_dimension_numbers<[1], [0], [0], [1], [0, 0, 1, 1], [], []>, transpose_lhs_hint = false} : vector<128x128xf32>, vector<128x64xf32>, vector<128x64xf32> -> vector<128x64xf32>
    %get3A_32 = arith.constant 0 : index
    %get3A_33 = arith.constant 0 : index
    %get3A_34 = vector.load %arg5[%get3A_32, %get3A_33] : memref<1x64xf32, #tpu.memory_space<vmem>>, vector<1x64xf32>
    %add3A_35 = vector.broadcast %get3A_34 : vector<1x64xf32> to vector<128x64xf32>
    %add3A_36 = arith.addf %dot_general3A_31, %add3A_35 : vector<128x64xf32>
    %swap3A = arith.constant 0 : index
    %swap3A_37 = arith.constant 0 : index
    %swap3A_38 = vector.load %arg6[%swap3A, %swap3A_37] : memref<128x64xf32, #tpu.memory_space<vmem>>, vector<128x64xf32>
    tpu.vector_store %arg6[%swap3A, %swap3A_37], %add3A_36 {strides = array<i32>} : memref<128x64xf32, #tpu.memory_space<vmem>>, vector<128x64xf32>,
    return
  }
}

</mosaic_0001>

<sc_bundles>
// kernel: kernel.11.cloned.1.call-start
scs
__scs_entry_jumppad:
0x0: {  	(pc) =	sbr.rel $0x88, $3  }
0x1: {  	(tag) =	ssettag $0x0;
	lr =	simm.s32 $0x1  }
0x2: {  	[smem:$0x3F98] =	sst lr;
	_ =	strace $0xD0000000  }
0x3: {  	_ = 	snop  }
0x4: {  	_ = 	snop  }
0x5: {  	_ = 	snop  }
0x6: {  	_ = 	snop  }
0x7: {  	_ = 	snop  }
__scs_overlays_trampoline_lowered:
0x8: {  	[smem:$0x3FA7] =	sst s0  }
0x9: {  	[smem:$0x3FA8] =	sst s1  }
0xa: {  	[smem:$0x3FA9] =	sst s2  }
0xb: {  	[smem:$0x3FAA] =	sst s3  }
0xc: {  	[smem:$0x3FAB] =	sst s4  }
0xd: {  	[smem:$0x3FAC] =	sst s5  }
0xe: {  	[smem:$0x3FAD] =	sst s6  }
0xf: {  	[smem:$0x3FAE] =	sst s7  }
0x10: {  	[smem:$0x3FAF] =	sst s8  }
0x11: {  	[smem:$0x3FB0] =	sst s9;
	s0 =	simm.s32 @!p0 $0x0  }
0x12: {  	s1 =	sld [smem:$0x3F96];
	s0 =	simm.s32 @p0 $0x1  }
0x13: {  	[smem:$0x3FB1] =	sst s0;
	s0 =	simm.s32 @!p1 $0x0  }
0x14: {  	s2 =	sld [smem:$0x3F95];
	s0 =	simm.s32 @p1 $0x1  }
0x15: {  	[smem:$0x3FB2] =	sst s0;
	s0 =	simm.s32 @!p2 $0x0  }
0x16: {  	s3 =	sld [smem:$0x3FDB];
	s0 =	simm.s32 @p2 $0x1  }
0x17: {  	s4 =	simm.s32 $0x1BF5;
	[smem:$0x3FB4] =	sst s0  }
0x18: {  	s0 =	sld [smem:$0x3F97];
	_ =	swait.ge [sflag:s4], $0x0  }
0x19: {  	s7 =	sld [smem:$0x3F98]  }
0x1a: {  	s8 =	sadd.s32 $0xFFFFE003, lr  }
0x1b: {  	s9 =	sadd.s32 $0xFFFFFEF7, lr;
	s5 =	simm.s32 $0xFFFFFFFF;
	p2 =	slt.u32 s8, $0xFFFFF086  }
0x1c: {  	p1 =	slt.u32 s9, $0xF7A;
	s5 =	simm.s32 @!p2 $0x0  }
0x1d: {  	s5 =	simm.s32 @p1 $0x1;
	p0 =	seq.s32 s7, s2  }
0x1e: {  	s7 =	smul.u32 @!p0 $0xF7A, s2;
	p2 =	seq.s32 @!p0 s5, $0x0  }
0x1f: {  	s9 =	smul.u32 $0xF7A, s1;
	s8 =	simm.s32 @!p0 $0x1BF5;
	p2 =	por !p2, p0  }
0x20: {  	[sflag:s8] =	ssyncset.s32 @!p0 $0xFFFFF086;
	s6 =	sadd.s32 @!p0 s3, s7;
	s7 =	simm.s32 @!p0 $0x108  }
0x21: {  	s3 =	sadd.s32 s3, s9;
	s6 =	sadd.s32 @!p0 $0x88, s6;
	s7 =	simm.s32 @p2 $0x1082  }
0x22: {  	[simem:s7], [sflag:s8] =	dma.local @!p0 [hbm:s6], $0xF7A  }
0x23: {  	s9 =	sor.u32 $0xD0000000, s2;
	s6 =	simm.s32 $0x108;
	_ =	swait.ge @!p0 [sflag:s8], $0x0  }
0x24: {  	s3 =	sadd.s32 $0x88, s3;
	s6 =	simm.s32 @!p1 $0x1082;
	[sflag:s4] =	ssyncset.s32 $0xFFFFF086  }
0x25: {  	[simem:s6], [sflag:s4] =	dma.local [hbm:s3], $0xF7A  }
0x26: {  	[smem:$0x3F98] =	sst s1;
	(tag) =	ssettag s2;
	_ =	strace s9  }
0x27: {  	s1 =	sld [smem:$0x3FA8]  }
0x28: {  	s2 =	sld [smem:$0x3FA9]  }
0x29: {  	s4 =	sld [smem:$0x3FAB]  }
0x2a: {  	p0 =	seq.s32 s5, $0x0;
	s5 =	sld [smem:$0x3FAC]  }
0x2b: {  	s6 =	sld [smem:$0x3FAD]  }
0x2c: {  	s7 =	sld [smem:$0x3FAE]  }
0x2d: {  	s3 =	simm.s32 $0x108;
	s8 =	sld [smem:$0x3FAF]  }
0x2e: {  	s3 =	simm.s32 @!p0 $0x1082;
	s9 =	sld [smem:$0x3FB0]  }
0x2f: {  	lr =	sadd.s32 s0, s3;
	s0 =	sld [smem:$0x3FA7]  }
0x30: {  	s3 =	sld [smem:$0x3FAA]  }
0x31: {  	[smem:$0x3FB3] =	sst s10  }
0x32: {  	s10 =	sld [smem:$0x3FB1];
	_ =	sdelay $0x3  }
0x33: {  	p0 =	seq.s32 s10, $0x1;
	s10 =	sld [smem:$0x3FB3];
	_ =	sdelay $0x3  }
0x34: {  	[smem:$0x3FB3] =	sst s10  }
0x35: {  	s10 =	sld [smem:$0x3FB2];
	_ =	sdelay $0x3  }
0x36: {  	p1 =	seq.s32 s10, $0x1;
	s10 =	sld [smem:$0x3FB3];
	_ =	sdelay $0x3  }
0x37: {  	[smem:$0x3FB3] =	sst s10  }
0x38: {  	s10 =	sld [smem:$0x3FB4]  }
0x39: {  	_ = 	snop;
	(pc) =	sbr.ind lr, $3  }
0x3a: {  	_ = 	snop  }
0x3b: {  	_ = 	snop  }
0x3c: {  	p2 =	seq.s32 s10, $0x1;
	s10 =	sld [smem:$0x3FB3]  }
0x3d: {  	_ =	shalt  }
0x3e: {  	_ =	shalt  }
0x3f: {  	_ =	shalt  }
0x40: {  	_ =	shalt  }
0x41: {  	_ =	shalt  }
0x42: {  	_ =	shalt  }
0x43: {  	_ =	shalt  }
0x44: {  	_ =	shalt  }
0x45: {  	_ =	shalt  }
0x46: {  	_ =	shalt  }
0x47: {  	_ =	shalt  }
0x48: {  	_ =	shalt  }
0x49: {  	_ =	shalt  }
0x4a: {  	_ =	shalt  }
0x4b: {  	_ =	shalt  }
0x4c: {  	_ =	shalt  }
0x4d: {  	_ =	shalt  }
0x4e: {  	_ =	shalt  }
0x4f: {  	_ =	shalt  }
0x50: {  	_ =	shalt  }
0x51: {  	_ =	shalt  }
0x52: {  	_ =	shalt  }
0x53: {  	_ =	shalt  }
0x54: {  	_ =	shalt  }
0x55: {  	_ =	shalt  }
0x56: {  	_ =	shalt  }
0x57: {  	_ =	shalt  }
0x58: {  	_ =	shalt  }
0x59: {  	_ =	shalt  }
0x5a: {  	_ =	shalt  }
0x5b: {  	_ =	shalt  }
0x5c: {  	_ =	shalt  }
0x5d: {  	_ =	shalt  }
0x5e: {  	_ =	shalt  }
0x5f: {  	_ =	shalt  }
0x60: {  	_ =	shalt  }
0x61: {  	_ =	shalt  }
0x62: {  	_ =	shalt  }
0x63: {  	_ =	shalt  }
0x64: {  	_ =	shalt  }
0x65: {  	_ =	shalt  }
0x66: {  	_ =	shalt  }
0x67: {  	_ =	shalt  }
0x68: {  	_ =	shalt  }
0x69: {  	_ =	shalt  }
0x6a: {  	_ =	shalt  }
0x6b: {  	_ =	shalt  }
0x6c: {  	_ =	shalt  }
0x6d: {  	_ =	shalt  }
0x6e: {  	_ =	shalt  }
0x6f: {  	_ =	shalt  }
0x70: {  	_ =	shalt  }
0x71: {  	_ =	shalt  }
0x72: {  	_ =	shalt  }
0x73: {  	_ =	shalt  }
0x74: {  	_ =	shalt  }
0x75: {  	_ =	shalt  }
0x76: {  	_ =	shalt  }
0x77: {  	_ =	shalt  }
0x78: {  	_ =	shalt  }
0x79: {  	_ =	shalt  }
0x7a: {  	_ =	shalt  }
0x7b: {  	_ =	shalt  }
0x7c: {  	_ =	shalt  }
0x7d: {  	_ =	shalt  }
0x7e: {  	_ =	shalt  }
0x7f: {  	_ =	shalt  }
0x80: {  	_ =	shalt  }
0x81: {  	_ =	shalt  }
0x82: {  	_ =	shalt  }
0x83: {  	_ =	shalt  }
0x84: {  	_ =	shalt  }
0x85: {  	_ =	shalt  }
0x86: {  	_ =	shalt  }
0x87: {  	_ =	shalt  }
.Lfunc_end0:
.L_simem_size_0:
called_computation.1_lowered:
.L_overlay_start_0:
0x88: {  	s2 =	sld [smem:$0x3FD9]  }
0x89: {  	s3 =	sld [smem:$0x3FFE];
	_ =	sdelay $0x1  }
0x8a: {  	s1 =	srdreg.scid  }
0x8b: {  	s0 =	sand.u32 $0x1, s1  }
0x8c: {  	s16 =	sshll.u32 s0, $0xA;
	s2 =	sadd.s32 s3, s2  }
0x8d: {  	s2 =	sadd.s32 s2, s16  }
0x8e: {  	[smem:$0x3FBF] =	sst s2  }
0x8f: {  	_ = 	snop  }
0x90: {  	(tm) =	ssettm $0x1  }
0x91: {  	s17 =	sld [smem:$0x3FFB];
	_ =	sdelay $0x3  }
0x92: {  	_ =	strace s17  }
0x93: {  	s2 =	sld [smem:$0x3FFC];
	_ =	sdelay $0x3  }
0x94: {  	_ =	strace s2  }
0x95: {  	s2 =	sld [smem:$0x3FFD];
	_ =	sdelay $0x3  }
0x96: {  	_ =	strace s2  }
0x97: {  	_ =	strace $0x8FFFFFFF  }
0x98: {  	s18 =	sld [smem:$0x3FDB];
	_ =	sdelay $0x1  }
0x99: {  	s19 =	simm.s32 $_scs_section_size  }
0x9a: {  	s4 =	simm.s32 $_size__tile_overlayer_lowered;
	s5 =	simm.s32 $_tile_overlayer_lowered  }
0x9b: {  	s22 =	simm.s32 $0x1BFF;
	s21 =	sshll.u32 s5, $0x1;
	s2 =	sadd.s32 s19, s18  }
0x9c: {  	s6 =	simm.s32 $0x0;
	s20 =	sshll.u32 s4, $0x1;
	s4 =	sadd.s32 s21, s2  }
0x9d: {  	[timem:s6], [sflag:s22] =	dma.local [hbm:s4], s20  }
0x9e: {  	_ =	swait.ge [sflag:s22], s20  }
0x9f: {  	s3 =	ssub.s32 $0x0, s20;
	[sflag:s22] =	ssyncset.done $0x0  }
0xa0: {  	[sflag:s22] =	ssyncadd.s32 s3;
	_ =	sdelay $0x1  }
0xa1: {  	s23 =	simm.s32 $0x1B8B  }
0xa2: {  	_ =	swait.ge [sflag:s23], $0x1  }
0xa3: {  	[sflag:s23] =	ssyncset.done $0x0  }
0xa4: {  	s25 =	simm.s32 $0x1B8E;
	s24 =	sld [smem:$0x3FFE];
	[sflag:s23] =	ssyncadd.s32 $0xFFFFFFFF  }
0xa5: {  	s26 =	simm.s32 $execute0_lowered;
	[smem:$0x3FD2] =	sst s25  }
0xa6: {  	s4 =	sshll.u32 s26, $0x1;
	_ =	strace $0x80000049;
	[dreg:$0x1] =	wrdreg $0xFFFFFFFF  }
0xa7: {  	s28 =	simm.s32 $_size_execute0_lowered;
	s2 =	sadd.s32 s2, s4;
	[dreg:$0x0] =	wrdreg $0x0  }
0xa8: {  	s4 =	sshll.u32 s28, $0x1;
	[dreg:$0x2] =	wrdreg s2  }
0xa9: {  	[dreg:$0x3] =	wrdreg s4  }
0xaa: {  	[dreg:$0x4] =	wrdreg $0xC0  }
0xab: {  	_ =	task [dreg:s6], $0x5FFFF  }
0xac: {  	[dreg:$0x1] =	wrdreg $0xFFFFFFFF  }
0xad: {  	[dreg:$0x0] =	wrdreg $0x60  }
0xae: {  	[dreg:$0x2] =	wrdreg s24  }
0xaf: {  	[dreg:$0x3] =	wrdreg $0x90000  }
0xb0: {  	[dreg:$0x4] =	wrdreg $0x9  }
0xb1: {  	_ =	task.clear_ibuf [dreg:s6], $0x5FFFF;
	_ =	strace $0x90000049  }
0xb2: {  	s29 =	simm.s32 $0x9;
	_ =	strace $0x8000004B  }
0xb3: {  	_ =	swait.ge [sflag:s29], $0x1  }
0xb4: {  	[sflag:s29] =	ssyncadd.s32 $0xFFFFFFFF  }
0xb5: {  	_ =	strace $0x9000004B  }
0xb6: {  	_ =	sfence  }
0xb7: {  	s30 =	sld [smem:$0x0];
	_ =	sdelay $0x2  }
0xb8: {  	s31 =	sshll.u32 s1, $0xD;
	s1 =	sshrl.u32 s1, $0x2  }
0xb9: {  	s3 =	sand.u32 $0x4000, s31;
	s1 =	sadd.s32 s1, s30  }
0xba: {  	s0 =	sor.u32 s3, s0;
	s1 =	sshll.u32 s1, $0x11  }
0xbb: {  	s0 =	sor.u32 s1, s0  }
0xbc: {  	s0 =	sadd.s32 $0x8F2B, s0  }
0xbd: {  	[sflag:s0] =	ssyncadd.remote.s32 $0x1  }
0xbe: {  	_ =	sfence.sel $0xFFFF  }
0xbf: {  	[dreg:$0x0] =	wrdreg $0xFFFFFFFF;
	(pc) =	sbr.abs _section_cstart, $3  }
0xc0: {  	[dreg:$0x1] =	wrdreg $0xFFFFFFFF  }
0xc1: {  	_ =	task.clear_ibuf [dreg:s6], $0x2FFFF;
	_ =	strace $0x9FFFFFFF  }
0xc2: {  	(tm) =	ssettm $0x7FFFFFFF  }
0xc3: {  	_ =	shalt  }
tec
execute0_lowered:
.L_overlay_start_1:
0x0: {  	(tag) =	ssettag $0x1  }
0x1: {  	s5 =	rddreg [dreg:$0x0]  }
0x2: {  	s1 =	rddreg [dreg:$0x1]  }
0x3: {  	s2 =	srdreg.scid;
	s0 =	rddreg [dreg:$0x2]  }
0x4: {  	s3 =	simm.s32 $0x0;
	s14 =	simm.s32 $0x3;
	s15 =	simm.s32 $0x2800  }
0x5: {  	s16 =	simm.s32 $0x5000;
	s17 =	simm.s32 $0x80;
	s18 =	simm.s32 $0x1  }
0x6: {  	s19 =	simm.s32 $0x2;
	s6 =	sand.u32 $0x1, s2;
	s2 =	stileid.u32  }
0x7: {  	s22 =	simm.s32 $0x0;
	[smem:$0x7FF] =	sst s3;
	s7 =	smul.u32 $0x140000, s6  }
0x8: {  	s4 =	sshll.u32 s6, $0x4;
	s8 =	smul.u32 $0x14000, s2;
	_ =	strace $0x8000004A  }
0x9: {  	s6 =	ssub.s32 $0x2, s6;
	s29 =	smul.u32 $0x50000, s2;
	s20 =	sshll.u32 s2, $0x6  }
0xa: {  	s9 =	sor.u32 s2, s4;
	s4 =	sadd.s32 $0x20000, s5;
	s30 =	sshrl.u32 s6, $0x1  }
0xb: {  	s20 =	sor.u32 $0x1C03, s20;
	s9 =	smul.u32 $0x500, s9;
	s7 =	sadd.s32 s8, s7  }
0xc: {  	s11 =	ssub.s32 s6, s30;
	s31 =	sshrl.u32 s29, $0x2;
	s7 =	sshrl.u32 s7, $0x3  }
0xd: {  	s9 =	sadd.s32 s9, s5;
	s10 =	sadd.s32 s7, s5;
	s7 =	sadd.s32 s31, s1  }
0xe: {  	s5 =	sadd.s32 $0x16000, s9;
	s6 =	sadd.s32 $0x2000, s9;
	s8 =	sadd.s32 $0x47200, s10  }
0xf: {  	s9 =	smax.u32 s11, $0x1;
	s10 =	sadd.s32 $0x4000, s7;
	s11 =	sadd.s32 $0x8000, s7  }
0x10: {  	v0 =	vimm.f32 $0.0e+00;
	s12 =	sadd.s32 $0xC000, s7;
	s13 =	sadd.s32 $0x10000, s7;
	s21 =	sshrl.u32 s7, $0x3  }
.LBB2_1:
0x11: {  	[tilespmem:s3], [sflag:$0x3] =	stream.linear.gather [hbm4b:s5+s3], $0x2780, $0x38;
	[tilespmem:$0x1D000] =	vst v63  }
0x12: {  	_ =	swait.ge [sflag:s14], $0x2780  }
0x13: {  	[sflag:s14] =	ssyncset.done $0x0  }
0x14: {  	[sflag:s14] =	ssyncadd.s32 $0xFFFFD880  }
0x15: {  	[tilespmem:s15], [sflag:$0x3] =	stream.linear.gather [hbm4b:s6+s3], $0x2780, $0x38;
	[tilespmem:$0x1D000] =	vst v63  }
0x16: {  	s23 =	sand.u32 $0xFE00, s3;
	s24 =	sand.u32 $0x70, s3;
	_ =	swait.ge [sflag:s14], $0x2780  }
0x17: {  	s25 =	sshrl.u32 s23, $0x2;
	s23 =	simm.s32 $0x40;
	[sflag:s14] =	ssyncset.done $0x0  }
0x18: {  	s25 =	sor.u32 s24, s25;
	s24 =	simm.s32 $0x0;
	[sflag:s14] =	ssyncadd.s32 $0xFFFFD880  }
.LBB2_2:
0x19: {  	p0 =	sne.s32 s23, $0xFFC0  }
0x1a: {  	[tilespmem:s25+$0x5000] =	vst v0;
	s24 =	sadd.s32 $0x10, s24;
	s25 =	smov.u32 s23;
	s23 =	sadd.s32 $0x40, s23  }
.Ltmp0:
0x1b: {  	(pc) =	sbr.rel @p0 .LBB2_2-.Ltmp0, $4  }
0x1c: {  	_ = 	snop  }
0x1d: {  	s25 =	sand.u32 $0xFE00, s25  }
0x1e: {  	s26 =	sand.u32 $0x70, s24;
	s25 =	sshrl.u32 s25, $0x2  }
0x1f: {  	s25 =	sor.u32 s26, s25  }
0x20: {  	[tilespmem:s25+$0x5000] =	vst v0  }
0x21: {  	[spmem:s7] =	stream.linear.scatter [tilespmem:s16], [sflag:$0x3], $0x4000, $0x38;
	[tilespmem:$0x1D000] =	vst v63  }
0x22: {  	_ =	swait.ge [sflag:s14], $0x4000  }
0x23: {  	[sflag:s14] =	ssyncset.done $0x0  }
0x24: {  	[sflag:s14] =	ssyncadd.s32 $0xFFFFC000  }
0x25: {  	[spmem:s10] =	stream.linear.scatter [tilespmem:s16], [sflag:$0x3], $0x4000, $0x38;
	[tilespmem:$0x1D000] =	vst v63  }
0x26: {  	_ =	swait.ge [sflag:s14], $0x4000  }
0x27: {  	[sflag:s14] =	ssyncset.done $0x0  }
0x28: {  	[sflag:s14] =	ssyncadd.s32 $0xFFFFC000  }
0x29: {  	[spmem:s11] =	stream.linear.scatter [tilespmem:s16], [sflag:$0x3], $0x4000, $0x38;
	[tilespmem:$0x1D000] =	vst v63  }
0x2a: {  	_ =	swait.ge [sflag:s14], $0x4000  }
0x2b: {  	[sflag:s14] =	ssyncset.done $0x0  }
0x2c: {  	[sflag:s14] =	ssyncadd.s32 $0xFFFFC000  }
0x2d: {  	[spmem:s12] =	stream.linear.scatter [tilespmem:s16], [sflag:$0x3], $0x4000, $0x38;
	[tilespmem:$0x1D000] =	vst v63  }
0x2e: {  	_ =	swait.ge [sflag:s14], $0x4000  }
0x2f: {  	[sflag:s14] =	ssyncset.done $0x0  }
0x30: {  	[sflag:s14] =	ssyncadd.s32 $0xFFFFC000  }
0x31: {  	[spmem:s13] =	stream.linear.scatter [tilespmem:s16], [sflag:$0x3], $0x4000, $0x38;
	[tilespmem:$0x1D000] =	vst v63  }
0x32: {  	_ =	swait.ge [sflag:s14], $0x4000  }
0x33: {  	[sflag:s14] =	ssyncset.done $0x0  }
0x34: {  	[sflag:s14] =	ssyncadd.s32 $0xFFFFC000  }
0x35: {  	s23 =	simm.s32 $0x0;
	[bflag:$0x0] =	sbarrier.arrive $0xFFFF  }
0x36: {  	[tilespmem:s16], [sflag:$0x1] =	stream.indirect.gather [hbm4b:s4+s17], $0x80, s23, s17, $0xb8;
	[tilespmem:$0x1D000] =	vst v63  }
0x37: {  	_ =	swait.ge [sflag:s18], $0x4000  }
0x38: {  	[sflag:s18] =	ssyncset.done $0x0  }
0x39: {  	s31 =	simm.s32 $0x2800;
	[sflag:s18] =	ssyncadd.s32 $0xFFFFC000  }
0x3a: {  	[spmem:s1] =	stream.indirect.scatter.add.f32 [tilespmem:s16], [sflag:$0x2], $0x80, s31, s17, $0xb8;
	[tilespmem:$0x1D000] =	vst v63  }
0x3b: {  	_ =	swait.ge [sflag:s19], $0x4000  }
0x3c: {  	s24 =	simm.s32 $0x400;
	s23 =	simm.s32 $0x200;
	[sflag:s19] =	ssyncset.done $0x0  }
.LBB2_4:
0x3d: {  	s25 =	sshra.s32 s23, $0x2  }
0x3e: {  	[sflag:s19] =	ssyncadd.s32 $0xFFFFC000;
	s23 =	smov.u32 s24;
	s26 =	sadd.s32 $0x200, s24  }
0x3f: {  	[tilespmem:s16], [sflag:$0x1] =	stream.indirect.gather [hbm4b:s4+s17], $0x80, s25, s17, $0xb8;
	[tilespmem:$0x1D000] =	vst v63  }
0x40: {  	p0 =	sne.s32 s24, $0x9C00;
	_ =	swait.ge [sflag:s18], $0x4000  }
.Ltmp1:
0x41: {  	[sflag:s18] =	ssyncset.done $0x0;
	(pc) =	sbr.rel @p0 .LBB2_4-.Ltmp1, $4  }
0x42: {  	s24 =	sadd.s32 $0x2800, s25;
	[sflag:s18] =	ssyncadd.s32 $0xFFFFC000  }
0x43: {  	[spmem:s1] =	stream.indirect.scatter.add.f32 [tilespmem:s16], [sflag:$0x2], $0x80, s24, s17, $0xb8;
	[tilespmem:$0x1D000] =	vst v63  }
0x44: {  	_ =	swait.ge [sflag:s19], $0x4000  }
0x45: {  	s24 =	smov.u32 s26;
	[sflag:s19] =	ssyncset.done $0x0  }
0x46: {  	s23 =	sshra.s32 s23, $0x2;
	[sflag:s19] =	ssyncadd.s32 $0xFFFFC000  }
0x47: {  	[tilespmem:s16], [sflag:$0x1] =	stream.indirect.gather [hbm4b:s4+s17], $0x80, s23, s17, $0xb8;
	[tilespmem:$0x1D000] =	vst v63  }
0x48: {  	_ =	swait.ge [sflag:s18], $0x4000  }
0x49: {  	[sflag:s18] =	ssyncset.done $0x0  }
0x4a: {  	s23 =	sadd.s32 $0x2800, s23;
	[sflag:s18] =	ssyncadd.s32 $0xFFFFC000  }
0x4b: {  	[spmem:s1] =	stream.indirect.scatter.add.f32 [tilespmem:s16], [sflag:$0x2], $0x80, s23, s17, $0xb8;
	[tilespmem:$0x1D000] =	vst v63  }
0x4c: {  	_ =	swait.ge [sflag:s19], $0x4000  }
0x4d: {  	s22 =	sadd.s32 $0x1, s22;
	[sflag:s19] =	ssyncset.done $0x0  }
0x4e: {  	p0 =	sne.s32 s22, s9;
	[sflag:s19] =	ssyncadd.s32 $0xFFFFC000  }
.Ltmp2:
0x4f: {  	[bflag:$0x0] =	sbarrier.arrive $0xFFFF;
	(pc) =	sbr.rel @p0 .LBB2_1-.Ltmp2, $4  }
0x50: {  	[hbm:s8], [sflag:s20] =	dma.local [spmem:s21], $0x2800  }
0x51: {  	_ =	swait.ge [sflag:s14], $0x2800  }
0x52: {  	[sflag:s14] =	ssyncset.done $0x0  }
0x53: {  	[sflag:s14] =	ssyncadd.s32 $0xFFFFD800  }
0x54: {  	_ =	sfence.sel $0x180000  }
0x55: {  	[bflag:$0x0] =	sbarrier.arrive $0xFFFF  }
0x56: {  	p0 =	sne.s32 s2, $0x0;
	_ =	strace $0x9000004A  }
0x57: {  	s0 =	sadd.s32 @!p0 $0x100000, s0;
	[bflag:$0x2] =	sbarrier.arrive $0xFFFF  }
0x58: {  	[sflag:s0] =	ssyncadd.tile.s32 @!p0 $0x1;
	_ =	shalt  }
.Lfunc_end2:
_tile_overlayer_lowered:
.L_overlay_start_2:
0x59: {  	(tag) =	ssettag $0x2  }
0x5a: {  	s0 =	rddreg [dreg:$0x0];
	s2 =	stileid.u32  }
0x5b: {  	s1 =	rddreg [dreg:$0x1];
	p0 =	sne.s32 s2, $0x0  }
0x5c: {  	s3 =	rddreg [dreg:$0x2];
	[bflag:$0x3] =	sbarrier.arrive $0xFFFF;
	s2 =	simm.s32 @!p0 $0x1C03  }
0x5d: {  	[timem:s3], [sflag:s2] =	dma.local @!p0 [hbm:s0], s1  }
0x5e: {  	s0 =	simm.s32 @!p0 $0x3  }
0x5f: {  	_ =	swait.ge @!p0 [sflag:s0], s1  }
0x60: {  	s1 =	ssub.s32 @!p0 $0x0, s1;
	[sflag:s0] =	ssyncset.done @!p0 $0x0  }
0x61: {  	[sflag:s0] =	ssyncadd.s32 @!p0 s1  }
0x62: {  	[bflag:$0x3] =	sbarrier.arrive $0xFFFF  }
0x63: {  	_ =	shalt  }

// kernel: kernel.14.cloned.1.call-start
scs
__scs_entry_jumppad:
0x0: {  	(pc) =	sbr.rel $0x88, $3  }
0x1: {  	(tag) =	ssettag $0x0;
	lr =	simm.s32 $0x1  }
0x2: {  	[smem:$0x3F98] =	sst lr;
	_ =	strace $0xD0000000  }
0x3: {  	_ = 	snop  }
0x4: {  	_ = 	snop  }
0x5: {  	_ = 	snop  }
0x6: {  	_ = 	snop  }
0x7: {  	_ = 	snop  }
__scs_overlays_trampoline_lowered:
0x8: {  	[smem:$0x3FA7] =	sst s0  }
0x9: {  	[smem:$0x3FA8] =	sst s1  }
0xa: {  	[smem:$0x3FA9] =	sst s2  }
0xb: {  	[smem:$0x3FAA] =	sst s3  }
0xc: {  	[smem:$0x3FAB] =	sst s4  }
0xd: {  	[smem:$0x3FAC] =	sst s5  }
0xe: {  	[smem:$0x3FAD] =	sst s6  }
0xf: {  	[smem:$0x3FAE] =	sst s7  }
0x10: {  	[smem:$0x3FAF] =	sst s8  }
0x11: {  	[smem:$0x3FB0] =	sst s9;
	s0 =	simm.s32 @!p0 $0x0  }
0x12: {  	s1 =	sld [smem:$0x3F96];
	s0 =	simm.s32 @p0 $0x1  }
0x13: {  	[smem:$0x3FB1] =	sst s0;
	s0 =	simm.s32 @!p1 $0x0  }
0x14: {  	s2 =	sld [smem:$0x3F95];
	s0 =	simm.s32 @p1 $0x1  }
0x15: {  	[smem:$0x3FB2] =	sst s0;
	s0 =	simm.s32 @!p2 $0x0  }
0x16: {  	s3 =	sld [smem:$0x3FDB];
	s0 =	simm.s32 @p2 $0x1  }
0x17: {  	s4 =	simm.s32 $0x1BF5;
	[smem:$0x3FB4] =	sst s0  }
0x18: {  	s0 =	sld [smem:$0x3F97];
	_ =	swait.ge [sflag:s4], $0x0  }
0x19: {  	s7 =	sld [smem:$0x3F98]  }
0x1a: {  	s8 =	sadd.s32 $0xFFFFE003, lr  }
0x1b: {  	s9 =	sadd.s32 $0xFFFFFEF7, lr;
	s5 =	simm.s32 $0xFFFFFFFF;
	p2 =	slt.u32 s8, $0xFFFFF086  }
0x1c: {  	p1 =	slt.u32 s9, $0xF7A;
	s5 =	simm.s32 @!p2 $0x0  }
0x1d: {  	s5 =	simm.s32 @p1 $0x1;
	p0 =	seq.s32 s7, s2  }
0x1e: {  	s7 =	smul.u32 @!p0 $0xF7A, s2;
	p2 =	seq.s32 @!p0 s5, $0x0  }
0x1f: {  	s9 =	smul.u32 $0xF7A, s1;
	s8 =	simm.s32 @!p0 $0x1BF5;
	p2 =	por !p2, p0  }
0x20: {  	[sflag:s8] =	ssyncset.s32 @!p0 $0xFFFFF086;
	s6 =	sadd.s32 @!p0 s3, s7;
	s7 =	simm.s32 @!p0 $0x108  }
0x21: {  	s3 =	sadd.s32 s3, s9;
	s6 =	sadd.s32 @!p0 $0x88, s6;
	s7 =	simm.s32 @p2 $0x1082  }
0x22: {  	[simem:s7], [sflag:s8] =	dma.local @!p0 [hbm:s6], $0xF7A  }
0x23: {  	s9 =	sor.u32 $0xD0000000, s2;
	s6 =	simm.s32 $0x108;
	_ =	swait.ge @!p0 [sflag:s8], $0x0  }
0x24: {  	s3 =	sadd.s32 $0x88, s3;
	s6 =	simm.s32 @!p1 $0x1082;
	[sflag:s4] =	ssyncset.s32 $0xFFFFF086  }
0x25: {  	[simem:s6], [sflag:s4] =	dma.local [hbm:s3], $0xF7A  }
0x26: {  	[smem:$0x3F98] =	sst s1;
	(tag) =	ssettag s2;
	_ =	strace s9  }
0x27: {  	s1 =	sld [smem:$0x3FA8]  }
0x28: {  	s2 =	sld [smem:$0x3FA9]  }
0x29: {  	s4 =	sld [smem:$0x3FAB]  }
0x2a: {  	p0 =	seq.s32 s5, $0x0;
	s5 =	sld [smem:$0x3FAC]  }
0x2b: {  	s6 =	sld [smem:$0x3FAD]  }
0x2c: {  	s7 =	sld [smem:$0x3FAE]  }
0x2d: {  	s3 =	simm.s32 $0x108;
	s8 =	sld [smem:$0x3FAF]  }
0x2e: {  	s3 =	simm.s32 @!p0 $0x1082;
	s9 =	sld [smem:$0x3FB0]  }
0x2f: {  	lr =	sadd.s32 s0, s3;
	s0 =	sld [smem:$0x3FA7]  }
0x30: {  	s3 =	sld [smem:$0x3FAA]  }
0x31: {  	[smem:$0x3FB3] =	sst s10  }
0x32: {  	s10 =	sld [smem:$0x3FB1];
	_ =	sdelay $0x3  }
0x33: {  	p0 =	seq.s32 s10, $0x1;
	s10 =	sld [smem:$0x3FB3];
	_ =	sdelay $0x3  }
0x34: {  	[smem:$0x3FB3] =	sst s10  }
0x35: {  	s10 =	sld [smem:$0x3FB2];
	_ =	sdelay $0x3  }
0x36: {  	p1 =	seq.s32 s10, $0x1;
	s10 =	sld [smem:$0x3FB3];
	_ =	sdelay $0x3  }
0x37: {  	[smem:$0x3FB3] =	sst s10  }
0x38: {  	s10 =	sld [smem:$0x3FB4]  }
0x39: {  	_ = 	snop;
	(pc) =	sbr.ind lr, $3  }
0x3a: {  	_ = 	snop  }
0x3b: {  	_ = 	snop  }
0x3c: {  	p2 =	seq.s32 s10, $0x1;
	s10 =	sld [smem:$0x3FB3]  }
0x3d: {  	_ =	shalt  }
0x3e: {  	_ =	shalt  }
0x3f: {  	_ =	shalt  }
0x40: {  	_ =	shalt  }
0x41: {  	_ =	shalt  }
0x42: {  	_ =	shalt  }
0x43: {  	_ =	shalt  }
0x44: {  	_ =	shalt  }
0x45: {  	_ =	shalt  }
0x46: {  	_ =	shalt  }
0x47: {  	_ =	shalt  }
0x48: {  	_ =	shalt  }
0x49: {  	_ =	shalt  }
0x4a: {  	_ =	shalt  }
0x4b: {  	_ =	shalt  }
0x4c: {  	_ =	shalt  }
0x4d: {  	_ =	shalt  }
0x4e: {  	_ =	shalt  }
0x4f: {  	_ =	shalt  }
0x50: {  	_ =	shalt  }
0x51: {  	_ =	shalt  }
0x52: {  	_ =	shalt  }
0x53: {  	_ =	shalt  }
0x54: {  	_ =	shalt  }
0x55: {  	_ =	shalt  }
0x56: {  	_ =	shalt  }
0x57: {  	_ =	shalt  }
0x58: {  	_ =	shalt  }
0x59: {  	_ =	shalt  }
0x5a: {  	_ =	shalt  }
0x5b: {  	_ =	shalt  }
0x5c: {  	_ =	shalt  }
0x5d: {  	_ =	shalt  }
0x5e: {  	_ =	shalt  }
0x5f: {  	_ =	shalt  }
0x60: {  	_ =	shalt  }
0x61: {  	_ =	shalt  }
0x62: {  	_ =	shalt  }
0x63: {  	_ =	shalt  }
0x64: {  	_ =	shalt  }
0x65: {  	_ =	shalt  }
0x66: {  	_ =	shalt  }
0x67: {  	_ =	shalt  }
0x68: {  	_ =	shalt  }
0x69: {  	_ =	shalt  }
0x6a: {  	_ =	shalt  }
0x6b: {  	_ =	shalt  }
0x6c: {  	_ =	shalt  }
0x6d: {  	_ =	shalt  }
0x6e: {  	_ =	shalt  }
0x6f: {  	_ =	shalt  }
0x70: {  	_ =	shalt  }
0x71: {  	_ =	shalt  }
0x72: {  	_ =	shalt  }
0x73: {  	_ =	shalt  }
0x74: {  	_ =	shalt  }
0x75: {  	_ =	shalt  }
0x76: {  	_ =	shalt  }
0x77: {  	_ =	shalt  }
0x78: {  	_ =	shalt  }
0x79: {  	_ =	shalt  }
0x7a: {  	_ =	shalt  }
0x7b: {  	_ =	shalt  }
0x7c: {  	_ =	shalt  }
0x7d: {  	_ =	shalt  }
0x7e: {  	_ =	shalt  }
0x7f: {  	_ =	shalt  }
0x80: {  	_ =	shalt  }
0x81: {  	_ =	shalt  }
0x82: {  	_ =	shalt  }
0x83: {  	_ =	shalt  }
0x84: {  	_ =	shalt  }
0x85: {  	_ =	shalt  }
0x86: {  	_ =	shalt  }
0x87: {  	_ =	shalt  }
.Lfunc_end0:
.L_simem_size_0:
called_computation.2_lowered:
.L_overlay_start_0:
0x88: {  	s2 =	sld [smem:$0x3FD9]  }
0x89: {  	s3 =	sld [smem:$0x3FFE];
	_ =	sdelay $0x1  }
0x8a: {  	s1 =	srdreg.scid  }
0x8b: {  	s0 =	sand.u32 $0x1, s1  }
0x8c: {  	s16 =	sshll.u32 s0, $0xA;
	s2 =	sadd.s32 s3, s2  }
0x8d: {  	s2 =	sadd.s32 s2, s16  }
0x8e: {  	[smem:$0x3FBF] =	sst s2  }
0x8f: {  	_ = 	snop  }
0x90: {  	(tm) =	ssettm $0x1  }
0x91: {  	s17 =	sld [smem:$0x3FFB];
	_ =	sdelay $0x3  }
0x92: {  	_ =	strace s17  }
0x93: {  	s2 =	sld [smem:$0x3FFC];
	_ =	sdelay $0x3  }
0x94: {  	_ =	strace s2  }
0x95: {  	s2 =	sld [smem:$0x3FFD];
	_ =	sdelay $0x3  }
0x96: {  	_ =	strace s2  }
0x97: {  	_ =	strace $0x8FFFFFFF  }
0x98: {  	s18 =	sld [smem:$0x3FDB];
	_ =	sdelay $0x1  }
0x99: {  	s19 =	simm.s32 $_scs_section_size  }
0x9a: {  	s4 =	simm.s32 $_size__tile_overlayer_lowered;
	s5 =	simm.s32 $_tile_overlayer_lowered  }
0x9b: {  	s22 =	simm.s32 $0x1BFF;
	s21 =	sshll.u32 s5, $0x1;
	s2 =	sadd.s32 s19, s18  }
0x9c: {  	s6 =	simm.s32 $0x0;
	s20 =	sshll.u32 s4, $0x1;
	s4 =	sadd.s32 s21, s2  }
0x9d: {  	[timem:s6], [sflag:s22] =	dma.local [hbm:s4], s20  }
0x9e: {  	_ =	swait.ge [sflag:s22], s20  }
0x9f: {  	s3 =	ssub.s32 $0x0, s20;
	[sflag:s22] =	ssyncset.done $0x0  }
0xa0: {  	[sflag:s22] =	ssyncadd.s32 s3;
	_ =	sdelay $0x1  }
0xa1: {  	s23 =	simm.s32 $0x1B8B  }
0xa2: {  	_ =	swait.ge [sflag:s23], $0x1  }
0xa3: {  	[sflag:s23] =	ssyncset.done $0x0  }
0xa4: {  	s25 =	simm.s32 $0x1B8E;
	s24 =	sld [smem:$0x3FFE];
	[sflag:s23] =	ssyncadd.s32 $0xFFFFFFFF  }
0xa5: {  	s26 =	simm.s32 $execute0_lowered;
	[smem:$0x3FD2] =	sst s25  }
0xa6: {  	s4 =	sshll.u32 s26, $0x1;
	_ =	strace $0x8000004C;
	[dreg:$0x1] =	wrdreg $0xFFFFFFFF  }
0xa7: {  	s28 =	simm.s32 $_size_execute0_lowered;
	s2 =	sadd.s32 s2, s4;
	[dreg:$0x0] =	wrdreg $0x0  }
0xa8: {  	s4 =	sshll.u32 s28, $0x1;
	[dreg:$0x2] =	wrdreg s2  }
0xa9: {  	[dreg:$0x3] =	wrdreg s4  }
0xaa: {  	[dreg:$0x4] =	wrdreg $0xC0  }
0xab: {  	_ =	task [dreg:s6], $0x5FFFF  }
0xac: {  	[dreg:$0x1] =	wrdreg $0xFFFFFFFF  }
0xad: {  	[dreg:$0x0] =	wrdreg $0x60  }
0xae: {  	[dreg:$0x2] =	wrdreg s24  }
0xaf: {  	[dreg:$0x3] =	wrdreg $0x90000  }
0xb0: {  	[dreg:$0x4] =	wrdreg $0x9  }
0xb1: {  	_ =	task.clear_ibuf [dreg:s6], $0x5FFFF;
	_ =	strace $0x9000004C  }
0xb2: {  	s29 =	simm.s32 $0x9;
	_ =	strace $0x8000004E  }
0xb3: {  	_ =	swait.ge [sflag:s29], $0x1  }
0xb4: {  	[sflag:s29] =	ssyncadd.s32 $0xFFFFFFFF  }
0xb5: {  	_ =	strace $0x9000004E  }
0xb6: {  	_ =	sfence  }
0xb7: {  	s30 =	sld [smem:$0x0];
	_ =	sdelay $0x2  }
0xb8: {  	s31 =	sshll.u32 s1, $0xD;
	s1 =	sshrl.u32 s1, $0x2  }
0xb9: {  	s3 =	sand.u32 $0x4000, s31;
	s1 =	sadd.s32 s1, s30  }
0xba: {  	s0 =	sor.u32 s3, s0;
	s1 =	sshll.u32 s1, $0x11  }
0xbb: {  	s0 =	sor.u32 s1, s0  }
0xbc: {  	s0 =	sadd.s32 $0x8F2B, s0  }
0xbd: {  	[sflag:s0] =	ssyncadd.remote.s32 $0x1  }
0xbe: {  	_ =	sfence.sel $0xFFFF  }
0xbf: {  	[dreg:$0x0] =	wrdreg $0xFFFFFFFF;
	(pc) =	sbr.abs _section_cstart, $3  }
0xc0: {  	[dreg:$0x1] =	wrdreg $0xFFFFFFFF  }
0xc1: {  	_ =	task.clear_ibuf [dreg:s6], $0x2FFFF;
	_ =	strace $0x9FFFFFFF  }
0xc2: {  	(tm) =	ssettm $0x7FFFFFFF  }
0xc3: {  	_ =	shalt  }
tec
execute0_lowered:
.L_overlay_start_1:
0x0: {  	(tag) =	ssettag $0x1  }
0x1: {  	s5 =	rddreg [dreg:$0x0]  }
0x2: {  	s1 =	rddreg [dreg:$0x1]  }
0x3: {  	s2 =	srdreg.scid;
	s0 =	rddreg [dreg:$0x2]  }
0x4: {  	s3 =	simm.s32 $0x0;
	s14 =	simm.s32 $0x3;
	s15 =	simm.s32 $0x2800  }
0x5: {  	s16 =	simm.s32 $0x5000;
	s17 =	simm.s32 $0x80;
	s18 =	simm.s32 $0x1  }
0x6: {  	s19 =	simm.s32 $0x2;
	s6 =	sand.u32 $0x1, s2;
	s2 =	stileid.u32  }
0x7: {  	s22 =	simm.s32 $0x0;
	[smem:$0x7FF] =	sst s3;
	s7 =	smul.u32 $0x140000, s6  }
0x8: {  	s4 =	sshll.u32 s6, $0x4;
	s8 =	smul.u32 $0x14000, s2;
	_ =	strace $0x8000004D  }
0x9: {  	s6 =	ssub.s32 $0x2, s6;
	s29 =	smul.u32 $0x50000, s2;
	s20 =	sshll.u32 s2, $0x6  }
0xa: {  	s9 =	sor.u32 s2, s4;
	s4 =	sadd.s32 $0x20000, s5;
	s30 =	sshrl.u32 s6, $0x1  }
0xb: {  	s20 =	sor.u32 $0x1C03, s20;
	s9 =	smul.u32 $0x500, s9;
	s7 =	sadd.s32 s8, s7  }
0xc: {  	s11 =	ssub.s32 s6, s30;
	s31 =	sshrl.u32 s29, $0x2;
	s7 =	sshrl.u32 s7, $0x3  }
0xd: {  	s9 =	sadd.s32 s9, s5;
	s10 =	sadd.s32 s7, s5;
	s7 =	sadd.s32 s31, s1  }
0xe: {  	s5 =	sadd.s32 $0x16000, s9;
	s6 =	sadd.s32 $0x2000, s9;
	s8 =	sadd.s32 $0x47200, s10  }
0xf: {  	s9 =	smax.u32 s11, $0x1;
	s10 =	sadd.s32 $0x4000, s7;
	s11 =	sadd.s32 $0x8000, s7  }
0x10: {  	v0 =	vimm.f32 $0.0e+00;
	s12 =	sadd.s32 $0xC000, s7;
	s13 =	sadd.s32 $0x10000, s7;
	s21 =	sshrl.u32 s7, $0x3  }
.LBB2_1:
0x11: {  	[tilespmem:s3], [sflag:$0x3] =	stream.linear.gather [hbm4b:s5+s3], $0x2780, $0x38;
	[tilespmem:$0x1D000] =	vst v63  }
0x12: {  	_ =	swait.ge [sflag:s14], $0x2780  }
0x13: {  	[sflag:s14] =	ssyncset.done $0x0  }
0x14: {  	[sflag:s14] =	ssyncadd.s32 $0xFFFFD880  }
0x15: {  	[tilespmem:s15], [sflag:$0x3] =	stream.linear.gather [hbm4b:s6+s3], $0x2780, $0x38;
	[tilespmem:$0x1D000] =	vst v63  }
0x16: {  	s23 =	sand.u32 $0xFE00, s3;
	s24 =	sand.u32 $0x70, s3;
	_ =	swait.ge [sflag:s14], $0x2780  }
0x17: {  	s25 =	sshrl.u32 s23, $0x2;
	s23 =	simm.s32 $0x40;
	[sflag:s14] =	ssyncset.done $0x0  }
0x18: {  	s25 =	sor.u32 s24, s25;
	s24 =	simm.s32 $0x0;
	[sflag:s14] =	ssyncadd.s32 $0xFFFFD880  }
.LBB2_2:
0x19: {  	p0 =	sne.s32 s23, $0xFFC0  }
0x1a: {  	[tilespmem:s25+$0x5000] =	vst v0;
	s24 =	sadd.s32 $0x10, s24;
	s25 =	smov.u32 s23;
	s23 =	sadd.s32 $0x40, s23  }
.Ltmp0:
0x1b: {  	(pc) =	sbr.rel @p0 .LBB2_2-.Ltmp0, $4  }
0x1c: {  	_ = 	snop  }
0x1d: {  	s25 =	sand.u32 $0xFE00, s25  }
0x1e: {  	s26 =	sand.u32 $0x70, s24;
	s25 =	sshrl.u32 s25, $0x2  }
0x1f: {  	s25 =	sor.u32 s26, s25  }
0x20: {  	[tilespmem:s25+$0x5000] =	vst v0  }
0x21: {  	[spmem:s7] =	stream.linear.scatter [tilespmem:s16], [sflag:$0x3], $0x4000, $0x38;
	[tilespmem:$0x1D000] =	vst v63  }
0x22: {  	_ =	swait.ge [sflag:s14], $0x4000  }
0x23: {  	[sflag:s14] =	ssyncset.done $0x0  }
0x24: {  	[sflag:s14] =	ssyncadd.s32 $0xFFFFC000  }
0x25: {  	[spmem:s10] =	stream.linear.scatter [tilespmem:s16], [sflag:$0x3], $0x4000, $0x38;
	[tilespmem:$0x1D000] =	vst v63  }
0x26: {  	_ =	swait.ge [sflag:s14], $0x4000  }
0x27: {  	[sflag:s14] =	ssyncset.done $0x0  }
0x28: {  	[sflag:s14] =	ssyncadd.s32 $0xFFFFC000  }
0x29: {  	[spmem:s11] =	stream.linear.scatter [tilespmem:s16], [sflag:$0x3], $0x4000, $0x38;
	[tilespmem:$0x1D000] =	vst v63  }
0x2a: {  	_ =	swait.ge [sflag:s14], $0x4000  }
0x2b: {  	[sflag:s14] =	ssyncset.done $0x0  }
0x2c: {  	[sflag:s14] =	ssyncadd.s32 $0xFFFFC000  }
0x2d: {  	[spmem:s12] =	stream.linear.scatter [tilespmem:s16], [sflag:$0x3], $0x4000, $0x38;
	[tilespmem:$0x1D000] =	vst v63  }
0x2e: {  	_ =	swait.ge [sflag:s14], $0x4000  }
0x2f: {  	[sflag:s14] =	ssyncset.done $0x0  }
0x30: {  	[sflag:s14] =	ssyncadd.s32 $0xFFFFC000  }
0x31: {  	[spmem:s13] =	stream.linear.scatter [tilespmem:s16], [sflag:$0x3], $0x4000, $0x38;
	[tilespmem:$0x1D000] =	vst v63  }
0x32: {  	_ =	swait.ge [sflag:s14], $0x4000  }
0x33: {  	[sflag:s14] =	ssyncset.done $0x0  }
0x34: {  	[sflag:s14] =	ssyncadd.s32 $0xFFFFC000  }
0x35: {  	s23 =	simm.s32 $0x0;
	[bflag:$0x0] =	sbarrier.arrive $0xFFFF  }
0x36: {  	[tilespmem:s16], [sflag:$0x1] =	stream.indirect.gather [hbm4b:s4+s17], $0x80, s23, s17, $0xb8;
	[tilespmem:$0x1D000] =	vst v63  }
0x37: {  	_ =	swait.ge [sflag:s18], $0x4000  }
0x38: {  	[sflag:s18] =	ssyncset.done $0x0  }
0x39: {  	s31 =	simm.s32 $0x2800;
	[sflag:s18] =	ssyncadd.s32 $0xFFFFC000  }
0x3a: {  	[spmem:s1] =	stream.indirect.scatter.add.f32 [tilespmem:s16], [sflag:$0x2], $0x80, s31, s17, $0xb8;
	[tilespmem:$0x1D000] =	vst v63  }
0x3b: {  	_ =	swait.ge [sflag:s19], $0x4000  }
0x3c: {  	s24 =	simm.s32 $0x400;
	s23 =	simm.s32 $0x200;
	[sflag:s19] =	ssyncset.done $0x0  }
.LBB2_4:
0x3d: {  	s25 =	sshra.s32 s23, $0x2  }
0x3e: {  	[sflag:s19] =	ssyncadd.s32 $0xFFFFC000;
	s23 =	smov.u32 s24;
	s26 =	sadd.s32 $0x200, s24  }
0x3f: {  	[tilespmem:s16], [sflag:$0x1] =	stream.indirect.gather [hbm4b:s4+s17], $0x80, s25, s17, $0xb8;
	[tilespmem:$0x1D000] =	vst v63  }
0x40: {  	p0 =	sne.s32 s24, $0x9C00;
	_ =	swait.ge [sflag:s18], $0x4000  }
.Ltmp1:
0x41: {  	[sflag:s18] =	ssyncset.done $0x0;
	(pc) =	sbr.rel @p0 .LBB2_4-.Ltmp1, $4  }
0x42: {  	s24 =	sadd.s32 $0x2800, s25;
	[sflag:s18] =	ssyncadd.s32 $0xFFFFC000  }
0x43: {  	[spmem:s1] =	stream.indirect.scatter.add.f32 [tilespmem:s16], [sflag:$0x2], $0x80, s24, s17, $0xb8;
	[tilespmem:$0x1D000] =	vst v63  }
0x44: {  	_ =	swait.ge [sflag:s19], $0x4000  }
0x45: {  	s24 =	smov.u32 s26;
	[sflag:s19] =	ssyncset.done $0x0  }
0x46: {  	s23 =	sshra.s32 s23, $0x2;
	[sflag:s19] =	ssyncadd.s32 $0xFFFFC000  }
0x47: {  	[tilespmem:s16], [sflag:$0x1] =	stream.indirect.gather [hbm4b:s4+s17], $0x80, s23, s17, $0xb8;
	[tilespmem:$0x1D000] =	vst v63  }
0x48: {  	_ =	swait.ge [sflag:s18], $0x4000  }
0x49: {  	[sflag:s18] =	ssyncset.done $0x0  }
0x4a: {  	s23 =	sadd.s32 $0x2800, s23;
	[sflag:s18] =	ssyncadd.s32 $0xFFFFC000  }
0x4b: {  	[spmem:s1] =	stream.indirect.scatter.add.f32 [tilespmem:s16], [sflag:$0x2], $0x80, s23, s17, $0xb8;
	[tilespmem:$0x1D000] =	vst v63  }
0x4c: {  	_ =	swait.ge [sflag:s19], $0x4000  }
0x4d: {  	s22 =	sadd.s32 $0x1, s22;
	[sflag:s19] =	ssyncset.done $0x0  }
0x4e: {  	p0 =	sne.s32 s22, s9;
	[sflag:s19] =	ssyncadd.s32 $0xFFFFC000  }
.Ltmp2:
0x4f: {  	[bflag:$0x0] =	sbarrier.arrive $0xFFFF;
	(pc) =	sbr.rel @p0 .LBB2_1-.Ltmp2, $4  }
0x50: {  	[hbm:s8], [sflag:s20] =	dma.local [spmem:s21], $0x2800  }
0x51: {  	_ =	swait.ge [sflag:s14], $0x2800  }
0x52: {  	[sflag:s14] =	ssyncset.done $0x0  }
0x53: {  	[sflag:s14] =	ssyncadd.s32 $0xFFFFD800  }
0x54: {  	_ =	sfence.sel $0x180000  }
0x55: {  	[bflag:$0x0] =	sbarrier.arrive $0xFFFF  }
0x56: {  	p0 =	sne.s32 s2, $0x0;
	_ =	strace $0x9000004D  }
0x57: {  	s0 =	sadd.s32 @!p0 $0x100000, s0;
	[bflag:$0x2] =	sbarrier.arrive $0xFFFF  }
0x58: {  	[sflag:s0] =	ssyncadd.tile.s32 @!p0 $0x1;
	_ =	shalt  }
.Lfunc_end2:
_tile_overlayer_lowered:
.L_overlay_start_2:
0x59: {  	(tag) =	ssettag $0x2  }
0x5a: {  	s0 =	rddreg [dreg:$0x0];
	s2 =	stileid.u32  }
0x5b: {  	s1 =	rddreg [dreg:$0x1];
	p0 =	sne.s32 s2, $0x0  }
0x5c: {  	s3 =	rddreg [dreg:$0x2];
	[bflag:$0x3] =	sbarrier.arrive $0xFFFF;
	s2 =	simm.s32 @!p0 $0x1C03  }
0x5d: {  	[timem:s3], [sflag:s2] =	dma.local @!p0 [hbm:s0], s1  }
0x5e: {  	s0 =	simm.s32 @!p0 $0x3  }
0x5f: {  	_ =	swait.ge @!p0 [sflag:s0], s1  }
0x60: {  	s1 =	ssub.s32 @!p0 $0x0, s1;
	[sflag:s0] =	ssyncset.done @!p0 $0x0  }
0x61: {  	[sflag:s0] =	ssyncadd.s32 @!p0 s1  }
0x62: {  	[bflag:$0x3] =	sbarrier.arrive $0xFFFF  }
0x63: {  	_ =	shalt  }

// kernel: kernel.8.cloned.1.call-start
scs
__scs_entry_jumppad:
0x0: {  	(pc) =	sbr.rel $0x88, $3  }
0x1: {  	(tag) =	ssettag $0x0;
	lr =	simm.s32 $0x1  }
0x2: {  	[smem:$0x3F98] =	sst lr;
	_ =	strace $0xD0000000  }
0x3: {  	_ = 	snop  }
0x4: {  	_ = 	snop  }
0x5: {  	_ = 	snop  }
0x6: {  	_ = 	snop  }
0x7: {  	_ = 	snop  }
__scs_overlays_trampoline_lowered:
0x8: {  	[smem:$0x3FA7] =	sst s0  }
0x9: {  	[smem:$0x3FA8] =	sst s1  }
0xa: {  	[smem:$0x3FA9] =	sst s2  }
0xb: {  	[smem:$0x3FAA] =	sst s3  }
0xc: {  	[smem:$0x3FAB] =	sst s4  }
0xd: {  	[smem:$0x3FAC] =	sst s5  }
0xe: {  	[smem:$0x3FAD] =	sst s6  }
0xf: {  	[smem:$0x3FAE] =	sst s7  }
0x10: {  	[smem:$0x3FAF] =	sst s8  }
0x11: {  	[smem:$0x3FB0] =	sst s9;
	s0 =	simm.s32 @!p0 $0x0  }
0x12: {  	s1 =	sld [smem:$0x3F96];
	s0 =	simm.s32 @p0 $0x1  }
0x13: {  	[smem:$0x3FB1] =	sst s0;
	s0 =	simm.s32 @!p1 $0x0  }
0x14: {  	s2 =	sld [smem:$0x3F95];
	s0 =	simm.s32 @p1 $0x1  }
0x15: {  	[smem:$0x3FB2] =	sst s0;
	s0 =	simm.s32 @!p2 $0x0  }
0x16: {  	s3 =	sld [smem:$0x3FDB];
	s0 =	simm.s32 @p2 $0x1  }
0x17: {  	s4 =	simm.s32 $0x1BF5;
	[smem:$0x3FB4] =	sst s0  }
0x18: {  	s0 =	sld [smem:$0x3F97];
	_ =	swait.ge [sflag:s4], $0x0  }
0x19: {  	s7 =	sld [smem:$0x3F98]  }
0x1a: {  	s8 =	sadd.s32 $0xFFFFE003, lr  }
0x1b: {  	s9 =	sadd.s32 $0xFFFFFEF7, lr;
	s5 =	simm.s32 $0xFFFFFFFF;
	p2 =	slt.u32 s8, $0xFFFFF086  }
0x1c: {  	p1 =	slt.u32 s9, $0xF7A;
	s5 =	simm.s32 @!p2 $0x0  }
0x1d: {  	s5 =	simm.s32 @p1 $0x1;
	p0 =	seq.s32 s7, s2  }
0x1e: {  	s7 =	smul.u32 @!p0 $0xF7A, s2;
	p2 =	seq.s32 @!p0 s5, $0x0  }
0x1f: {  	s9 =	smul.u32 $0xF7A, s1;
	s8 =	simm.s32 @!p0 $0x1BF5;
	p2 =	por !p2, p0  }
0x20: {  	[sflag:s8] =	ssyncset.s32 @!p0 $0xFFFFF086;
	s6 =	sadd.s32 @!p0 s3, s7;
	s7 =	simm.s32 @!p0 $0x108  }
0x21: {  	s3 =	sadd.s32 s3, s9;
	s6 =	sadd.s32 @!p0 $0x88, s6;
	s7 =	simm.s32 @p2 $0x1082  }
0x22: {  	[simem:s7], [sflag:s8] =	dma.local @!p0 [hbm:s6], $0xF7A  }
0x23: {  	s9 =	sor.u32 $0xD0000000, s2;
	s6 =	simm.s32 $0x108;
	_ =	swait.ge @!p0 [sflag:s8], $0x0  }
0x24: {  	s3 =	sadd.s32 $0x88, s3;
	s6 =	simm.s32 @!p1 $0x1082;
	[sflag:s4] =	ssyncset.s32 $0xFFFFF086  }
0x25: {  	[simem:s6], [sflag:s4] =	dma.local [hbm:s3], $0xF7A  }
0x26: {  	[smem:$0x3F98] =	sst s1;
	(tag) =	ssettag s2;
	_ =	strace s9  }
0x27: {  	s1 =	sld [smem:$0x3FA8]  }
0x28: {  	s2 =	sld [smem:$0x3FA9]  }
0x29: {  	s4 =	sld [smem:$0x3FAB]  }
0x2a: {  	p0 =	seq.s32 s5, $0x0;
	s5 =	sld [smem:$0x3FAC]  }
0x2b: {  	s6 =	sld [smem:$0x3FAD]  }
0x2c: {  	s7 =	sld [smem:$0x3FAE]  }
0x2d: {  	s3 =	simm.s32 $0x108;
	s8 =	sld [smem:$0x3FAF]  }
0x2e: {  	s3 =	simm.s32 @!p0 $0x1082;
	s9 =	sld [smem:$0x3FB0]  }
0x2f: {  	lr =	sadd.s32 s0, s3;
	s0 =	sld [smem:$0x3FA7]  }
0x30: {  	s3 =	sld [smem:$0x3FAA]  }
0x31: {  	[smem:$0x3FB3] =	sst s10  }
0x32: {  	s10 =	sld [smem:$0x3FB1];
	_ =	sdelay $0x3  }
0x33: {  	p0 =	seq.s32 s10, $0x1;
	s10 =	sld [smem:$0x3FB3];
	_ =	sdelay $0x3  }
0x34: {  	[smem:$0x3FB3] =	sst s10  }
0x35: {  	s10 =	sld [smem:$0x3FB2];
	_ =	sdelay $0x3  }
0x36: {  	p1 =	seq.s32 s10, $0x1;
	s10 =	sld [smem:$0x3FB3];
	_ =	sdelay $0x3  }
0x37: {  	[smem:$0x3FB3] =	sst s10  }
0x38: {  	s10 =	sld [smem:$0x3FB4]  }
0x39: {  	_ = 	snop;
	(pc) =	sbr.ind lr, $3  }
0x3a: {  	_ = 	snop  }
0x3b: {  	_ = 	snop  }
0x3c: {  	p2 =	seq.s32 s10, $0x1;
	s10 =	sld [smem:$0x3FB3]  }
0x3d: {  	_ =	shalt  }
0x3e: {  	_ =	shalt  }
0x3f: {  	_ =	shalt  }
0x40: {  	_ =	shalt  }
0x41: {  	_ =	shalt  }
0x42: {  	_ =	shalt  }
0x43: {  	_ =	shalt  }
0x44: {  	_ =	shalt  }
0x45: {  	_ =	shalt  }
0x46: {  	_ =	shalt  }
0x47: {  	_ =	shalt  }
0x48: {  	_ =	shalt  }
0x49: {  	_ =	shalt  }
0x4a: {  	_ =	shalt  }
0x4b: {  	_ =	shalt  }
0x4c: {  	_ =	shalt  }
0x4d: {  	_ =	shalt  }
0x4e: {  	_ =	shalt  }
0x4f: {  	_ =	shalt  }
0x50: {  	_ =	shalt  }
0x51: {  	_ =	shalt  }
0x52: {  	_ =	shalt  }
0x53: {  	_ =	shalt  }
0x54: {  	_ =	shalt  }
0x55: {  	_ =	shalt  }
0x56: {  	_ =	shalt  }
0x57: {  	_ =	shalt  }
0x58: {  	_ =	shalt  }
0x59: {  	_ =	shalt  }
0x5a: {  	_ =	shalt  }
0x5b: {  	_ =	shalt  }
0x5c: {  	_ =	shalt  }
0x5d: {  	_ =	shalt  }
0x5e: {  	_ =	shalt  }
0x5f: {  	_ =	shalt  }
0x60: {  	_ =	shalt  }
0x61: {  	_ =	shalt  }
0x62: {  	_ =	shalt  }
0x63: {  	_ =	shalt  }
0x64: {  	_ =	shalt  }
0x65: {  	_ =	shalt  }
0x66: {  	_ =	shalt  }
0x67: {  	_ =	shalt  }
0x68: {  	_ =	shalt  }
0x69: {  	_ =	shalt  }
0x6a: {  	_ =	shalt  }
0x6b: {  	_ =	shalt  }
0x6c: {  	_ =	shalt  }
0x6d: {  	_ =	shalt  }
0x6e: {  	_ =	shalt  }
0x6f: {  	_ =	shalt  }
0x70: {  	_ =	shalt  }
0x71: {  	_ =	shalt  }
0x72: {  	_ =	shalt  }
0x73: {  	_ =	shalt  }
0x74: {  	_ =	shalt  }
0x75: {  	_ =	shalt  }
0x76: {  	_ =	shalt  }
0x77: {  	_ =	shalt  }
0x78: {  	_ =	shalt  }
0x79: {  	_ =	shalt  }
0x7a: {  	_ =	shalt  }
0x7b: {  	_ =	shalt  }
0x7c: {  	_ =	shalt  }
0x7d: {  	_ =	shalt  }
0x7e: {  	_ =	shalt  }
0x7f: {  	_ =	shalt  }
0x80: {  	_ =	shalt  }
0x81: {  	_ =	shalt  }
0x82: {  	_ =	shalt  }
0x83: {  	_ =	shalt  }
0x84: {  	_ =	shalt  }
0x85: {  	_ =	shalt  }
0x86: {  	_ =	shalt  }
0x87: {  	_ =	shalt  }
.Lfunc_end0:
.L_simem_size_0:
called_computation_lowered:
.L_overlay_start_0:
0x88: {  	s2 =	sld [smem:$0x3FD9]  }
0x89: {  	s3 =	sld [smem:$0x3FFE];
	_ =	sdelay $0x1  }
0x8a: {  	s1 =	srdreg.scid  }
0x8b: {  	s0 =	sand.u32 $0x1, s1  }
0x8c: {  	s16 =	sshll.u32 s0, $0xA;
	s2 =	sadd.s32 s3, s2  }
0x8d: {  	s2 =	sadd.s32 s2, s16  }
0x8e: {  	[smem:$0x3FBF] =	sst s2  }
0x8f: {  	_ = 	snop  }
0x90: {  	(tm) =	ssettm $0x1  }
0x91: {  	s17 =	sld [smem:$0x3FFB];
	_ =	sdelay $0x3  }
0x92: {  	_ =	strace s17  }
0x93: {  	s2 =	sld [smem:$0x3FFC];
	_ =	sdelay $0x3  }
0x94: {  	_ =	strace s2  }
0x95: {  	s2 =	sld [smem:$0x3FFD];
	_ =	sdelay $0x3  }
0x96: {  	_ =	strace s2  }
0x97: {  	_ =	strace $0x8FFFFFFF  }
0x98: {  	s18 =	sld [smem:$0x3FDB];
	_ =	sdelay $0x1  }
0x99: {  	s19 =	simm.s32 $_scs_section_size  }
0x9a: {  	s4 =	simm.s32 $_size__tile_overlayer_lowered;
	s5 =	simm.s32 $_tile_overlayer_lowered  }
0x9b: {  	s22 =	simm.s32 $0x1BFF;
	s21 =	sshll.u32 s5, $0x1;
	s2 =	sadd.s32 s19, s18  }
0x9c: {  	s6 =	simm.s32 $0x0;
	s20 =	sshll.u32 s4, $0x1;
	s4 =	sadd.s32 s21, s2  }
0x9d: {  	[timem:s6], [sflag:s22] =	dma.local [hbm:s4], s20  }
0x9e: {  	_ =	swait.ge [sflag:s22], s20  }
0x9f: {  	s3 =	ssub.s32 $0x0, s20;
	[sflag:s22] =	ssyncset.done $0x0  }
0xa0: {  	[sflag:s22] =	ssyncadd.s32 s3;
	_ =	sdelay $0x1  }
0xa1: {  	s23 =	simm.s32 $0x1B8B  }
0xa2: {  	_ =	swait.ge [sflag:s23], $0x1  }
0xa3: {  	[sflag:s23] =	ssyncset.done $0x0  }
0xa4: {  	s25 =	simm.s32 $0x1B8E;
	s24 =	sld [smem:$0x3FFE];
	[sflag:s23] =	ssyncadd.s32 $0xFFFFFFFF  }
0xa5: {  	s26 =	simm.s32 $execute0_lowered;
	[smem:$0x3FD2] =	sst s25  }
0xa6: {  	s4 =	sshll.u32 s26, $0x1;
	_ =	strace $0x80000046;
	[dreg:$0x1] =	wrdreg $0xFFFFFFFF  }
0xa7: {  	s28 =	simm.s32 $_size_execute0_lowered;
	s2 =	sadd.s32 s2, s4;
	[dreg:$0x0] =	wrdreg $0x0  }
0xa8: {  	s4 =	sshll.u32 s28, $0x1;
	[dreg:$0x2] =	wrdreg s2  }
0xa9: {  	[dreg:$0x3] =	wrdreg s4  }
0xaa: {  	[dreg:$0x4] =	wrdreg $0xC0  }
0xab: {  	_ =	task [dreg:s6], $0x5FFFF  }
0xac: {  	[dreg:$0x1] =	wrdreg $0xFFFFFFFF  }
0xad: {  	[dreg:$0x0] =	wrdreg $0x60  }
0xae: {  	[dreg:$0x2] =	wrdreg s24  }
0xaf: {  	[dreg:$0x3] =	wrdreg $0x9  }
0xb0: {  	_ =	task.clear_ibuf [dreg:s6], $0x4FFFF;
	_ =	strace $0x90000046  }
0xb1: {  	s29 =	simm.s32 $0x9;
	_ =	strace $0x80000048  }
0xb2: {  	_ =	swait.ge [sflag:s29], $0x1  }
0xb3: {  	[sflag:s29] =	ssyncadd.s32 $0xFFFFFFFF  }
0xb4: {  	_ =	strace $0x90000048  }
0xb5: {  	_ =	sfence  }
0xb6: {  	s30 =	sld [smem:$0x0];
	_ =	sdelay $0x2  }
0xb7: {  	s31 =	sshll.u32 s1, $0xD;
	s1 =	sshrl.u32 s1, $0x2  }
0xb8: {  	s3 =	sand.u32 $0x4000, s31;
	s1 =	sadd.s32 s1, s30  }
0xb9: {  	s0 =	sor.u32 s3, s0;
	s1 =	sshll.u32 s1, $0x11  }
0xba: {  	s0 =	sor.u32 s1, s0  }
0xbb: {  	s0 =	sadd.s32 $0x8F2B, s0  }
0xbc: {  	[sflag:s0] =	ssyncadd.remote.s32 $0x1  }
0xbd: {  	_ =	sfence.sel $0xFFFF  }
0xbe: {  	[dreg:$0x0] =	wrdreg $0xFFFFFFFF;
	(pc) =	sbr.abs _section_cstart, $3  }
0xbf: {  	[dreg:$0x1] =	wrdreg $0xFFFFFFFF  }
0xc0: {  	_ =	task.clear_ibuf [dreg:s6], $0x2FFFF;
	_ =	strace $0x9FFFFFFF  }
0xc1: {  	(tm) =	ssettm $0x7FFFFFFF  }
tec
execute0_lowered:
.L_overlay_start_1:
0x0: {  	(tag) =	ssettag $0x1  }
0x1: {  	s0 =	srdreg.scid  }
0x2: {  	s5 =	rddreg [dreg:$0x0];
	s3 =	sand.u32 $0x1, s0  }
0x3: {  	s2 =	simm.s32 $0x0;
	s0 =	stileid.u32;
	s1 =	sshll.u32 s3, $0x4  }
0x4: {  	s8 =	simm.s32 $0x80;
	s9 =	simm.s32 $0x400;
	s4 =	sor.u32 s0, s1  }
0x5: {  	s10 =	simm.s32 $0x0;
	[smem:$0x7FF] =	sst s2;
	s1 =	sshrl.u32 s4, $0x3  }
0x6: {  	s7 =	sshll.u32 s0, $0x7;
	s3 =	ssub.s32 $0x2, s3;
	s6 =	smul.u32 $0x14000, s1  }
0x7: {  	s7 =	sand.u32 $0x380, s7;
	s31 =	sshrl.u32 s3, $0x1;
	s4 =	smul.u32 $0x500, s4  }
0x8: {  	s1 =	rddreg [dreg:$0x1];
	_ =	strace $0x80000047;
	s6 =	sor.u32 s7, s6  }
0x9: {  	s4 =	sadd.s32 s4, s5;
	s7 =	simm.s32 $0x2800;
	s6 =	sshrl.u32 s6, $0x3  }
0xa: {  	s5 =	sadd.s32 s6, s5;
	s6 =	ssub.s32 s3, s31;
	s3 =	sadd.s32 $0x2000, s4  }
0xb: {  	v0 =	vimm.f32 $0.0e+00;
	v1 =	vimm.f32 $1.000000000e+00;
	s4 =	sadd.s32 $0xC000, s5;
	s5 =	smax.u32 s6, $0x1;
	s6 =	simm.s32 $0x1  }
.LBB2_1:
0xc: {  	[tilespmem:s2], [sflag:$0x1] =	stream.linear.gather [hbm4b:s3+s2], $0x2780, $0x38;
	[tilespmem:$0x5000] =	vst v63  }
0xd: {  	_ =	swait.ge [sflag:s6], $0x2780  }
0xe: {  	[sflag:s6] =	ssyncset.done $0x0  }
0xf: {  	s11 =	simm.s32 $0x0;
	[sflag:s6] =	ssyncadd.s32 $0xFFFFD880  }
.LBB2_2:
0x10: {  	p0 =	sne.s32 s11, $0x9FC0  }
.Ltmp0:
0x11: {  	_ = 	snop;
	(pc) =	sbr.rel @p0 .LBB2_2-.Ltmp0, $3  }
0x12: {  	_ =	sdelay $0x1  }
0x13: {  	s12 =	sshra.s32 s11, $0x2  }
0x14: {  	s11 =	sadd.s32 $0x40, s11;
	[tilespmem:s12+$0x2800] =	vst v0  }
0x15: {  	s11 =	simm.s32 $0x1C0  }
.LBB2_4:
0x16: {  	s12 =	sshra.s32 s11, $0x2  }
0x17: {  	v2 =	vld [tilespmem:s12+$0xFFFFFF90];
	_ =	sdelay $0x7  }
0x18: {  	[tilespmem:v2+s7+$0x0] =	vst.idx.add.f32.msk $0xffff, v1  }
0x19: {  	v2 =	vld [tilespmem:s12+$0xFFFFFFA0];
	_ =	sdelay $0x7  }
0x1a: {  	[tilespmem:v2+s7+$0x0] =	vst.idx.add.f32.msk $0xffff, v1  }
0x1b: {  	v2 =	vld [tilespmem:s12+$0xFFFFFFB0];
	_ =	sdelay $0x7  }
0x1c: {  	[tilespmem:v2+s7+$0x0] =	vst.idx.add.f32.msk $0xffff, v1  }
0x1d: {  	v2 =	vld [tilespmem:s12+$0xFFFFFFC0];
	_ =	sdelay $0x7  }
0x1e: {  	[tilespmem:v2+s7+$0x0] =	vst.idx.add.f32.msk $0xffff, v1  }
0x1f: {  	v2 =	vld [tilespmem:s12+$0xFFFFFFD0];
	_ =	sdelay $0x7  }
0x20: {  	[tilespmem:v2+s7+$0x0] =	vst.idx.add.f32.msk $0xffff, v1  }
0x21: {  	v2 =	vld [tilespmem:s12+$0xFFFFFFE0];
	_ =	sdelay $0x7  }
0x22: {  	[tilespmem:v2+s7+$0x0] =	vst.idx.add.f32.msk $0xffff, v1  }
0x23: {  	v2 =	vld [tilespmem:s12+$0xFFFFFFF0];
	_ =	sdelay $0x7  }
0x24: {  	[tilespmem:v2+s7+$0x0] =	vst.idx.add.f32.msk $0xffff, v1  }
0x25: {  	v2 =	vld [tilespmem:s12+$0x0];
	_ =	sdelay $0x2  }
0x26: {  	p0 =	sne.s32 s11, $0x9DC0  }
.Ltmp1:
0x27: {  	_ = 	snop;
	(pc) =	sbr.rel @p0 .LBB2_4-.Ltmp1, $2  }
0x28: {  	_ =	sdelay $0x2  }
0x29: {  	s11 =	sadd.s32 $0x200, s11;
	[tilespmem:v2+s7+$0x0] =	vst.idx.add.f32.msk $0xffff, v1  }
0x2a: {  	s10 =	sadd.s32 $0x1, s10  }
0x2b: {  	p0 =	sne.s32 s10, s5  }
.Ltmp2:
0x2c: {  	_ = 	snop;
	(pc) =	sbr.rel @p0 .LBB2_1-.Ltmp2, $4  }
0x2d: {  	[hbm4b:s4+s8] =	stream.strided.scatter [tilespmem:s7], [sflag:$0x1], $0x2800, s9, s8, $0x38;
	[tilespmem:$0x5000] =	vst v63  }
0x2e: {  	_ =	swait.ge [sflag:s6], $0x2800  }
0x2f: {  	[sflag:s6] =	ssyncset.done $0x0  }
0x30: {  	[sflag:s6] =	ssyncadd.s32 $0xFFFFD800  }
0x31: {  	_ =	sfence.sel $0x180000  }
0x32: {  	[bflag:$0x0] =	sbarrier.arrive $0xFFFF  }
0x33: {  	p0 =	sne.s32 s0, $0x0;
	_ =	strace $0x90000047  }
0x34: {  	s0 =	sadd.s32 @!p0 $0x100000, s1;
	[bflag:$0x2] =	sbarrier.arrive $0xFFFF  }
0x35: {  	[sflag:s0] =	ssyncadd.tile.s32 @!p0 $0x1;
	_ =	shalt  }
.Lfunc_end2:
_tile_overlayer_lowered:
.L_overlay_start_2:
0x36: {  	(tag) =	ssettag $0x2  }
0x37: {  	s0 =	rddreg [dreg:$0x0];
	s2 =	stileid.u32  }
0x38: {  	s1 =	rddreg [dreg:$0x1];
	p0 =	sne.s32 s2, $0x0  }
0x39: {  	s3 =	rddreg [dreg:$0x2];
	[bflag:$0x3] =	sbarrier.arrive $0xFFFF;
	s2 =	simm.s32 @!p0 $0x1C01  }
0x3a: {  	[timem:s3], [sflag:s2] =	dma.local @!p0 [hbm:s0], s1  }
0x3b: {  	s0 =	simm.s32 @!p0 $0x1  }
0x3c: {  	_ =	swait.ge @!p0 [sflag:s0], s1  }
0x3d: {  	s1 =	ssub.s32 @!p0 $0x0, s1;
	[sflag:s0] =	ssyncset.done @!p0 $0x0  }
0x3e: {  	[sflag:s0] =	ssyncadd.s32 @!p0 s1  }
0x3f: {  	[bflag:$0x3] =	sbarrier.arrive $0xFFFF  }
0x40: {  	_ =	shalt  }

</sc_bundles>
